<compile_context>
chip_gen: v7x
topology: tpu7x:2x2x1
jax: 0.10.2.dev20260603
libtpu: 0.0.44.dev20260713+nightly
codegen_flags: <defaults>
</compile_context>

<pallas_src>
import functools

import jax
import jax.numpy as jnp
from jax import lax
from jax.experimental import pallas as pl
from jax.experimental.pallas import tpu as pltpu
from jax.experimental.pallas import tpu_sc as plsc

NC = 2
NS = 16
LANES = 16
G = 125
SUP = 32
SUPD = 40
HALF = 128
RA = 624
BN = 1000


def _mesh():
    return plsc.VectorSubcoreMesh(core_axis_name="c", subcore_axis_name="s")


def _copy_rows(src_ref, dst_ref, sid, n_rows):
    last = n_rows - (NS - 1) * RA

    @pl.when(sid < NS - 1)
    def _():
        r0 = pl.multiple_of(sid * RA, 8)
        pltpu.sync_copy(src_ref.at[pl.ds(r0, RA)], dst_ref.at[pl.ds(r0, RA)])

    @pl.when(sid == NS - 1)
    def _():
        r0 = (NS - 1) * RA
        pltpu.sync_copy(src_ref.at[pl.ds(r0, last)], dst_ref.at[pl.ds(r0, last)])


def _make_deg(N, E):
    ROWS = E // G
    ROWS_W = ROWS // (NC * NS)

    @functools.partial(
        pl.kernel,
        out_type=[jax.ShapeDtypeStruct((N, HALF), jnp.float32)] * 2,
        mesh=_mesh(),
        scratch_types=[
            pltpu.VMEM((SUPD, G), jnp.int32),
            pltpu.VMEM((G, HALF), jnp.float32),
            pltpu.VMEM_SHARED((N, HALF), jnp.float32),
        ],
    )
    def deg(dst2, zeros_hbm, ones_hbm, out0, out1, idx_v, ones_v, acc_sh):
        cid = lax.axis_index("c")
        sid = lax.axis_index("s")
        wid = cid * NS + sid
        _copy_rows(zeros_hbm, acc_sh, sid, N)
        pltpu.sync_copy(ones_hbm, ones_v)
        plsc.subcore_barrier()

        def outer(j, carry):
            rb = pl.multiple_of(wid * ROWS_W + j * SUPD, 8)
            pltpu.sync_copy(dst2.at[pl.ds(rb, SUPD)], idx_v)

            def inner(k, c2):
                pltpu.sync_copy(ones_v, acc_sh.at[idx_v.at[k]], add=True)
                return c2

            return lax.fori_loop(0, SUPD, inner, carry)

        lax.fori_loop(0, ROWS_W // SUPD, outer, 0)
        plsc.subcore_barrier()

        @pl.when(cid == 0)
        def _():
            _copy_rows(acc_sh, out0, sid, N)

        @pl.when(cid == 1)
        def _():
            _copy_rows(acc_sh, out1, sid, N)

    return deg


def _make_prop(N, E):
    ROWS = E // G
    ROWS_T = ROWS // NS

    @functools.partial(
        pl.kernel,
        out_type=[jax.ShapeDtypeStruct((N, HALF), jnp.float32)] * 2,
        mesh=_mesh(),
        scratch_types=[
            pltpu.VMEM((SUP, G), jnp.int32),
            pltpu.VMEM((SUP, G), jnp.int32),
            pltpu.VMEM((G, HALF), jnp.float32),
            pltpu.VMEM_SHARED((N, HALF), jnp.float32),
            pltpu.SemaphoreType.DMA,
        ],
    )
    def prop(hp0, hp1, src2, dst2, out0, out1, src_v, dst_v, rows_v, acc_sh, sem):
        cid = lax.axis_index("c")
        sid = lax.axis_index("s")

        def run(hp, out):
            _copy_rows(hp, acc_sh, sid, N)
            plsc.subcore_barrier()

            def outer(j, carry):
                rb = pl.multiple_of(sid * ROWS_T + j * SUP, 8)
                pltpu.sync_copy(src2.at[pl.ds(rb, SUP)], src_v)
                pltpu.sync_copy(dst2.at[pl.ds(rb, SUP)], dst_v)

                def inner(k, c2):
                    pltpu.async_copy(hp.at[src_v.at[k]], rows_v, sem).wait()
                    pltpu.sync_copy(rows_v, acc_sh.at[dst_v.at[k]], add=True)
                    return c2

                return lax.fori_loop(0, SUP, inner, carry)

            lax.fori_loop(0, ROWS_T // SUP, outer, 0)
            plsc.subcore_barrier()
            _copy_rows(acc_sh, out, sid, N)

        @pl.when(cid == 0)
        def _():
            run(hp0, out0)

        @pl.when(cid == 1)
        def _():
            run(hp1, out1)

    return prop


def _dinv(d0_ref, d1_ref):
    return lax.rsqrt(1.0 + d0_ref[:, 0:1] + d1_ref[:, 0:1])


def _tc1_body(x_ref, w_ref, d0_ref, d1_ref, o0_ref, o1_ref):
    dinv = _dinv(d0_ref, d1_ref)
    h = jnp.dot(x_ref[...], w_ref[...], precision=lax.Precision.HIGHEST,
                preferred_element_type=jnp.float32)
    o0_ref[...] = h[:, :HALF] * dinv
    o1_ref[...] = h[:, HALF:] * dinv


def _tc2_body(a0_ref, a1_ref, d0_ref, d1_ref, w_ref, b_ref, o0_ref, o1_ref):
    dinv = _dinv(d0_ref, d1_ref)
    b = b_ref[...]
    lat0 = jnp.maximum(a0_ref[...] * dinv + b[:, :HALF], 0.0)
    lat1 = jnp.maximum(a1_ref[...] * dinv + b[:, HALF:], 0.0)
    w = w_ref[...]
    h = (jnp.dot(lat0, w[:HALF, :], precision=lax.Precision.HIGHEST,
                 preferred_element_type=jnp.float32)
         + jnp.dot(lat1, w[HALF:, :], precision=lax.Precision.HIGHEST,
                   preferred_element_type=jnp.float32))
    o0_ref[...] = h[:, :HALF] * dinv
    o1_ref[...] = h[:, HALF:] * dinv


def _tc3_body(a0_ref, a1_ref, d0_ref, d1_ref, b_ref, o_ref):
    dinv = _dinv(d0_ref, d1_ref)
    b = b_ref[...]
    lo = jnp.maximum(a0_ref[...] * dinv + b[:, :HALF], 0.0)
    hi = jnp.maximum(a1_ref[...] * dinv + b[:, HALF:], 0.0)
    o_ref[...] = jnp.concatenate([lo, hi], axis=1)


def _row_spec(bn, d):
    return pl.BlockSpec((bn, d), lambda i: (i, 0))


def _full_spec(shape):
    return pl.BlockSpec(shape, lambda i: (0, 0))


def kernel(features, edge_idx, W_enc, b_enc, W_dec, b_dec):
    N, IN = features.shape
    E = edge_idx.shape[1]
    HID = W_enc.shape[1]

    src = edge_idx[0].astype(jnp.int32).reshape(E // G, G)
    dst = edge_idx[1].astype(jnp.int32).reshape(E // G, G)
    zeros_w = jnp.zeros((N, HALF), jnp.float32)
    ones_w = jnp.ones((G, HALF), jnp.float32)

    d0, d1 = _make_deg(N, E)(dst, zeros_w, ones_w)

    tc1 = pl.pallas_call(
        _tc1_body,
        grid=(N // BN,),
        in_specs=[_row_spec(BN, IN), _full_spec((IN, HID)),
                  _row_spec(BN, HALF), _row_spec(BN, HALF)],
        out_specs=[_row_spec(BN, HALF)] * 2,
        out_shape=[jax.ShapeDtypeStruct((N, HALF), jnp.float32)] * 2,
    )
    hp0, hp1 = tc1(features, W_enc, d0, d1)

    prop = _make_prop(N, E)
    a0, a1 = prop(hp0, hp1, src, dst)

    tc2 = pl.pallas_call(
        _tc2_body,
        grid=(N // BN,),
        in_specs=[_row_spec(BN, HALF), _row_spec(BN, HALF),
                  _row_spec(BN, HALF), _row_spec(BN, HALF),
                  _full_spec((HID, HID)), _full_spec((1, HID))],
        out_specs=[_row_spec(BN, HALF)] * 2,
        out_shape=[jax.ShapeDtypeStruct((N, HALF), jnp.float32)] * 2,
    )
    g0, g1 = tc2(a0, a1, d0, d1, W_dec, b_enc.reshape(1, HID))

    c0, c1 = prop(g0, g1, src, dst)

    tc3 = pl.pallas_call(
        _tc3_body,
        grid=(N // BN,),
        in_specs=[_row_spec(BN, HALF), _row_spec(BN, HALF),
                  _row_spec(BN, HALF), _row_spec(BN, HALF),
                  _full_spec((1, HID))],
        out_specs=_row_spec(BN, HID),
        out_shape=jax.ShapeDtypeStruct((N, HID), jnp.float32),
    )
    return tc3(c0, c1, d0, d1, b_dec.reshape(1, HID))

# --- scband reference (transcript-rebuilt; emitter-appended) ---
"""Pipeline reference for scband-dual-stream-gae-30700426232010 (READ-ONLY COPY).

The authoritative reference and input builder live on the scoring server;
editing this copy changes nothing except your own understanding.
"""

import jax, jax.numpy as jnp
import numpy as np

N_NODES = 10000
N_EDGES = 320000
IN_DIM = 128
HID_DIM = 256
OUT_DIM = 256


def gcn_conv(x, src, dst, W, b):
    # GCNConv with self-loops and symmetric normalization (PyG default)
    N = x.shape[0]
    loop = jnp.arange(N, dtype=src.dtype)
    src_a = jnp.concatenate([src, loop])
    dst_a = jnp.concatenate([dst, loop])
    deg = jnp.zeros((N,), dtype=x.dtype).at[dst_a].add(1.0)
    dinv = jnp.where(deg > 0, jax.lax.rsqrt(deg), 0.0)
    norm = dinv[src_a] * dinv[dst_a]
    h = x @ W
    msg = h[src_a] * norm[:, None]
    out = jax.ops.segment_sum(msg, dst_a, num_segments=N)
    return out + b


def setup_inputs(seed: int = 0) -> dict:
    key = jax.random.key(seed)
    k1, k2, k3, k4, k5 = jax.random.split(key, 5)
    features = jax.random.normal(k1, (N_NODES, IN_DIM), dtype=jnp.float32)
    edge_idx = jax.random.randint(k2, (2, N_EDGES), 0, N_NODES, dtype=jnp.int64 if jax.config.jax_enable_x64 else jnp.int32)
    # glorot-ish init for GCN weights
    W_enc = jax.random.normal(k3, (IN_DIM, HID_DIM), dtype=jnp.float32) * (1.0 / np.sqrt(IN_DIM))
    b_enc = jnp.zeros((HID_DIM,), dtype=jnp.float32)
    W_dec = jax.random.normal(k4, (HID_DIM, OUT_DIM), dtype=jnp.float32) * (1.0 / np.sqrt(HID_DIM))
    b_dec = jnp.zeros((OUT_DIM,), dtype=jnp.float32)
    return {"features": features, "edge_idx": edge_idx, "W_enc": W_enc, "b_enc": b_enc, "W_dec": W_dec, "b_dec": b_dec}


def reference(features, edge_idx, W_enc, b_enc, W_dec, b_dec):
    # DualStreamGAE forward with mode='pre', eval mode (dropout = identity)
    src = edge_idx[0]
    dst = edge_idx[1]
    # shared encoder: GCN -> relu -> dropout(identity)
    latent = jax.nn.relu(gcn_conv(features, src, dst, W_enc, b_enc))
    # pre decoder: dropout(identity) -> GCN -> relu
    reconstructed = jax.nn.relu(gcn_conv(latent, src, dst, W_dec, b_dec))
    return reconstructed

if __name__ == "__main__":
    import jax
    _d = setup_inputs()
    print(jax.jit(kernel)(*tuple(_d.values())))

</pallas_src>

<mosaic_0001>
#map = affine_map<(d0, d1) -> (0, 0)>
module attributes {stable_mosaic.version = 14 : i64} {
  func.func @prop(%arg0: i32, %arg1: i32, %arg2: memref<10000x128xf32, #tpu.memory_space<hbm>>, %arg3: memref<10000x128xf32, #tpu.memory_space<hbm>>, %arg4: memref<2560x125xi32, #tpu.memory_space<hbm>>, %arg5: memref<2560x125xi32, #tpu.memory_space<hbm>>, %arg6: memref<10000x128xf32, #tpu.memory_space<hbm>>, %arg7: memref<10000x128xf32, #tpu.memory_space<hbm>>, %arg8: memref<32x125xi32, #tpu.memory_space<vmem>>, %arg9: memref<32x125xi32, #tpu.memory_space<vmem>>, %arg10: memref<125x128xf32, #tpu.memory_space<vmem>>, %arg11: memref<10000x128xf32, #tpu.memory_space<vmem_shared>>, %arg12: memref<!tpu.dma_semaphore, #tpu.memory_space<semaphore_mem>>) attributes {dimension_semantics = [#tpu.dimension_semantics<core_parallel>, #tpu.dimension_semantics<subcore_parallel>], iteration_bounds = array<i64: 2, 16>, scalar_prefetch = 0 : i64, scratch_operands = 5 : i64, tpu.core_type = #tpu.core_type<sc_vector_subcore>, window_params = [{transform_indices = #map}, {transform_indices = #map}, {transform_indices = #map}, {transform_indices = #map}, {transform_indices = #map}, {transform_indices = #map}]} {
    %eq3A = arith.constant 0 : i32
    %eq3A_0 = arith.cmpi eq, %arg0, %eq3A : i32
    %convert_element_type3A = arith.extui %eq3A_0 : i1 to i32
    %cond3A = arith.constant 0 : i32
    %cond3A_1 = arith.cmpi ne, %convert_element_type3A, %cond3A : i32
    scf.if %cond3A_1 {
      %lt3A = arith.constant 15 : i32
      %lt3A_7 = arith.cmpi slt, %arg1, %lt3A : i32
      %convert_element_type3A_8 = arith.extui %lt3A_7 : i1 to i32
      %cond3A_9 = arith.constant 0 : i32
      %cond3A_10 = arith.cmpi ne, %convert_element_type3A_8, %cond3A_9 : i32
      scf.if %cond3A_10 {
        %mul3A = arith.constant 624 : i32
        %mul3A_32 = arith.muli %arg1, %mul3A : i32
        %multiple_of3A = tpu.assume_multiple %mul3A_32, 8 : i32
        "tpu.region"() ({
          %run_scoped3A = tpu.sem_alloc : memref<!tpu.dma_semaphore, #tpu.memory_space<semaphore_mem>>
          %dma_start3A = arith.constant 0 : i32
          %dma_start3A_33 = tpu.memref_slice %arg11[%multiple_of3A, %dma_start3A] : memref<10000x128xf32, #tpu.memory_space<vmem_shared>> -> memref<624x128xf32, #tpu.memory_space<vmem_shared>>
          %dma_start3A_34 = arith.constant 0 : i32
          %dma_start3A_35 = tpu.memref_slice %arg2[%multiple_of3A, %dma_start3A_34] : memref<10000x128xf32, #tpu.memory_space<hbm>> -> memref<624x128xf32, #tpu.memory_space<hbm>>
          tpu.enqueue_dma source(%dma_start3A_35 : memref<624x128xf32, #tpu.memory_space<hbm>>) target(%dma_start3A_33 : memref<624x128xf32, #tpu.memory_space<vmem_shared>>) target_semaphore(%run_scoped3A : memref<!tpu.dma_semaphore, #tpu.memory_space<semaphore_mem>>)
          %dma_wait3A = arith.constant 0 : i32
          %dma_wait3A_36 = tpu.memref_slice %arg11[%multiple_of3A, %dma_wait3A] : memref<10000x128xf32, #tpu.memory_space<vmem_shared>> -> memref<624x128xf32, #tpu.memory_space<vmem_shared>>
          %dma_wait3A_37 = arith.constant 0 : i32
          %dma_wait3A_38 = tpu.memref_slice %arg2[%multiple_of3A, %dma_wait3A_37] : memref<10000x128xf32, #tpu.memory_space<hbm>> -> memref<624x128xf32, #tpu.memory_space<hbm>>
          tpu.wait_dma2 semaphore(%run_scoped3A : memref<!tpu.dma_semaphore, #tpu.memory_space<semaphore_mem>>) src(%dma_wait3A_38 : memref<624x128xf32, #tpu.memory_space<hbm>>) dst(%dma_wait3A_36 : memref<624x128xf32, #tpu.memory_space<vmem_shared>>)
          tpu.yield
        }) : () -> ()
      } else {
      }
      %eq3A_11 = arith.constant 15 : i32
      %eq3A_12 = arith.cmpi eq, %arg1, %eq3A_11 : i32
      %convert_element_type3A_13 = arith.extui %eq3A_12 : i1 to i32
      %cond3A_14 = arith.constant 0 : i32
      %cond3A_15 = arith.cmpi ne, %convert_element_type3A_13, %cond3A_14 : i32
      scf.if %cond3A_15 {
        "tpu.region"() ({
          %run_scoped3A = tpu.sem_alloc : memref<!tpu.dma_semaphore, #tpu.memory_space<semaphore_mem>>
          %dma_start3A = arith.constant 9360 : i32
          %dma_start3A_32 = arith.constant 0 : i32
          %dma_start3A_33 = tpu.memref_slice %arg11[%dma_start3A, %dma_start3A_32] : memref<10000x128xf32, #tpu.memory_space<vmem_shared>> -> memref<640x128xf32, #tpu.memory_space<vmem_shared>>
          %dma_start3A_34 = arith.constant 9360 : i32
          %dma_start3A_35 = arith.constant 0 : i32
          %dma_start3A_36 = tpu.memref_slice %arg2[%dma_start3A_34, %dma_start3A_35] : memref<10000x128xf32, #tpu.memory_space<hbm>> -> memref<640x128xf32, #tpu.memory_space<hbm>>
          tpu.enqueue_dma source(%dma_start3A_36 : memref<640x128xf32, #tpu.memory_space<hbm>>) target(%dma_start3A_33 : memref<640x128xf32, #tpu.memory_space<vmem_shared>>) target_semaphore(%run_scoped3A : memref<!tpu.dma_semaphore, #tpu.memory_space<semaphore_mem>>)
          %dma_wait3A = arith.constant 9360 : i32
          %dma_wait3A_37 = arith.constant 0 : i32
          %dma_wait3A_38 = tpu.memref_slice %arg11[%dma_wait3A, %dma_wait3A_37] : memref<10000x128xf32, #tpu.memory_space<vmem_shared>> -> memref<640x128xf32, #tpu.memory_space<vmem_shared>>
          %dma_wait3A_39 = arith.constant 9360 : i32
          %dma_wait3A_40 = arith.constant 0 : i32
          %dma_wait3A_41 = tpu.memref_slice %arg2[%dma_wait3A_39, %dma_wait3A_40] : memref<10000x128xf32, #tpu.memory_space<hbm>> -> memref<640x128xf32, #tpu.memory_space<hbm>>
          tpu.wait_dma2 semaphore(%run_scoped3A : memref<!tpu.dma_semaphore, #tpu.memory_space<semaphore_mem>>) src(%dma_wait3A_41 : memref<640x128xf32, #tpu.memory_space<hbm>>) dst(%dma_wait3A_38 : memref<640x128xf32, #tpu.memory_space<vmem_shared>>)
          tpu.yield
        }) : () -> ()
      } else {
      }
      %barrier3A = arith.constant 0 : index
      tpu.barrier barrier_id(%barrier3A)
      %scan3A = arith.constant 0 : i32
      %scan3A_16 = arith.constant 0 : i32
      %scan3A_17 = arith.constant 5 : i32
      %scan3A_18 = arith.addi %scan3A_16, %scan3A_17 : i32
      %scan3A_19 = arith.constant 1 : i32
      scf.for %scan3A_32 = %scan3A_16 to %scan3A_18 step %scan3A_19  : i32 {
        %mul3A = arith.constant 160 : i32
        %mul3A_33 = arith.muli %arg1, %mul3A : i32
        %mul3A_34 = arith.constant 32 : i32
        %mul3A_35 = arith.muli %scan3A_32, %mul3A_34 : i32
        %add3A = arith.addi %mul3A_33, %mul3A_35 : i32
        %multiple_of3A = tpu.assume_multiple %add3A, 8 : i32
        "tpu.region"() ({
          %run_scoped3A = tpu.sem_alloc : memref<!tpu.dma_semaphore, #tpu.memory_space<semaphore_mem>>
          %dma_start3A = arith.constant 0 : i32
          %dma_start3A_41 = tpu.memref_slice %arg4[%multiple_of3A, %dma_start3A] : memref<2560x125xi32, #tpu.memory_space<hbm>> -> memref<32x125xi32, #tpu.memory_space<hbm>>
          %dma_start3A_42 = arith.constant 0 : i32
          %dma_start3A_43 = tpu.memref_slice %arg4[%multiple_of3A, %dma_start3A_42] : memref<2560x125xi32, #tpu.memory_space<hbm>> -> memref<32x125xi32, #tpu.memory_space<hbm>>
          tpu.enqueue_dma source(%dma_start3A_43 : memref<32x125xi32, #tpu.memory_space<hbm>>) target(%arg8 : memref<32x125xi32, #tpu.memory_space<vmem>>) target_semaphore(%run_scoped3A : memref<!tpu.dma_semaphore, #tpu.memory_space<semaphore_mem>>)
          %dma_wait3A = arith.constant 0 : i32
          %dma_wait3A_44 = tpu.memref_slice %arg4[%multiple_of3A, %dma_wait3A] : memref<2560x125xi32, #tpu.memory_space<hbm>> -> memref<32x125xi32, #tpu.memory_space<hbm>>
          %dma_wait3A_45 = arith.constant 0 : i32
          %dma_wait3A_46 = tpu.memref_slice %arg4[%multiple_of3A, %dma_wait3A_45] : memref<2560x125xi32, #tpu.memory_space<hbm>> -> memref<32x125xi32, #tpu.memory_space<hbm>>
          tpu.wait_dma2 semaphore(%run_scoped3A : memref<!tpu.dma_semaphore, #tpu.memory_space<semaphore_mem>>) src(%dma_wait3A_46 : memref<32x125xi32, #tpu.memory_space<hbm>>) dst(%arg8 : memref<32x125xi32, #tpu.memory_space<vmem>>)
          tpu.yield
        }) : () -> ()
        "tpu.region"() ({
          %run_scoped3A = tpu.sem_alloc : memref<!tpu.dma_semaphore, #tpu.memory_space<semaphore_mem>>
          %dma_start3A = arith.constant 0 : i32
          %dma_start3A_41 = tpu.memref_slice %arg5[%multiple_of3A, %dma_start3A] : memref<2560x125xi32, #tpu.memory_space<hbm>> -> memref<32x125xi32, #tpu.memory_space<hbm>>
          %dma_start3A_42 = arith.constant 0 : i32
          %dma_start3A_43 = tpu.memref_slice %arg5[%multiple_of3A, %dma_start3A_42] : memref<2560x125xi32, #tpu.memory_space<hbm>> -> memref<32x125xi32, #tpu.memory_space<hbm>>
          tpu.enqueue_dma source(%dma_start3A_43 : memref<32x125xi32, #tpu.memory_space<hbm>>) target(%arg9 : memref<32x125xi32, #tpu.memory_space<vmem>>) target_semaphore(%run_scoped3A : memref<!tpu.dma_semaphore, #tpu.memory_space<semaphore_mem>>)
          %dma_wait3A = arith.constant 0 : i32
          %dma_wait3A_44 = tpu.memref_slice %arg5[%multiple_of3A, %dma_wait3A] : memref<2560x125xi32, #tpu.memory_space<hbm>> -> memref<32x125xi32, #tpu.memory_space<hbm>>
          %dma_wait3A_45 = arith.constant 0 : i32
          %dma_wait3A_46 = tpu.memref_slice %arg5[%multiple_of3A, %dma_wait3A_45] : memref<2560x125xi32, #tpu.memory_space<hbm>> -> memref<32x125xi32, #tpu.memory_space<hbm>>
          tpu.wait_dma2 semaphore(%run_scoped3A : memref<!tpu.dma_semaphore, #tpu.memory_space<semaphore_mem>>) src(%dma_wait3A_46 : memref<32x125xi32, #tpu.memory_space<hbm>>) dst(%arg9 : memref<32x125xi32, #tpu.memory_space<vmem>>)
          tpu.yield
        }) : () -> ()
        %scan3A_36 = arith.constant 0 : i32
        %scan3A_37 = arith.constant 32 : i32
        %scan3A_38 = arith.addi %scan3A_36, %scan3A_37 : i32
        %scan3A_39 = arith.constant 1 : i32
        scf.for %scan3A_41 = %scan3A_36 to %scan3A_38 step %scan3A_39  : i32 {
          %dma_start3A = arith.constant 0 : i32
          %dma_start3A_42 = tpu.memref_slice %arg8[%scan3A_41, %dma_start3A] : memref<32x125xi32, #tpu.memory_space<vmem>> -> memref<1x125xi32, #tpu.memory_space<vmem>>
          %dma_start3A_43 = tpu.memref_squeeze %dma_start3A_42 : memref<1x125xi32, #tpu.memory_space<vmem>> -> memref<125xi32, #tpu.memory_space<vmem>>
          %dma_start3A_44 = arith.constant 0 : i32
          %dma_start3A_45 = arith.constant 0 : i32
          %dma_start3A_46 = tpu.memref_slice %arg2[%dma_start3A_44, %dma_start3A_45] : memref<10000x128xf32, #tpu.memory_space<hbm>> -> memref<10000x128xf32, #tpu.memory_space<hbm>>
          tpu.enqueue_indirect_dma source(%dma_start3A_46 : memref<10000x128xf32, #tpu.memory_space<hbm>>) target(%arg10 : memref<125x128xf32, #tpu.memory_space<vmem>>) offsets(%dma_start3A_43 : memref<125xi32, #tpu.memory_space<vmem>>) semaphore(%arg12 : memref<!tpu.dma_semaphore, #tpu.memory_space<semaphore_mem>>)
          %dma_wait3A = arith.constant 0 : i32
          %dma_wait3A_47 = tpu.memref_slice %arg8[%scan3A_41, %dma_wait3A] : memref<32x125xi32, #tpu.memory_space<vmem>> -> memref<1x125xi32, #tpu.memory_space<vmem>>
          %dma_wait3A_48 = tpu.memref_squeeze %dma_wait3A_47 : memref<1x125xi32, #tpu.memory_space<vmem>> -> memref<125xi32, #tpu.memory_space<vmem>>
          %dma_wait3A_49 = arith.constant 0 : i32
          %dma_wait3A_50 = arith.constant 0 : i32
          %dma_wait3A_51 = tpu.memref_slice %arg2[%dma_wait3A_49, %dma_wait3A_50] : memref<10000x128xf32, #tpu.memory_space<hbm>> -> memref<10000x128xf32, #tpu.memory_space<hbm>>
          tpu.wait_indirect_dma semaphore(%arg12 : memref<!tpu.dma_semaphore, #tpu.memory_space<semaphore_mem>>) src(%dma_wait3A_51 : memref<10000x128xf32, #tpu.memory_space<hbm>>) dst(%arg10 : memref<125x128xf32, #tpu.memory_space<vmem>>)
          "tpu.region"() ({
            %run_scoped3A = tpu.sem_alloc : memref<!tpu.dma_semaphore, #tpu.memory_space<semaphore_mem>>
            %dma_start3A_52 = arith.constant 0 : i32
            %dma_start3A_53 = tpu.memref_slice %arg9[%scan3A_41, %dma_start3A_52] : memref<32x125xi32, #tpu.memory_space<vmem>> -> memref<1x125xi32, #tpu.memory_space<vmem>>
            %dma_start3A_54 = tpu.memref_squeeze %dma_start3A_53 : memref<1x125xi32, #tpu.memory_space<vmem>> -> memref<125xi32, #tpu.memory_space<vmem>>
            %dma_start3A_55 = arith.constant 0 : i32
            %dma_start3A_56 = arith.constant 0 : i32
            %dma_start3A_57 = tpu.memref_slice %arg11[%dma_start3A_55, %dma_start3A_56] : memref<10000x128xf32, #tpu.memory_space<vmem_shared>> -> memref<10000x128xf32, #tpu.memory_space<vmem_shared>>
            tpu.enqueue_indirect_dma source(%arg10 : memref<125x128xf32, #tpu.memory_space<vmem>>) target(%dma_start3A_57 : memref<10000x128xf32, #tpu.memory_space<vmem_shared>>) offsets(%dma_start3A_54 : memref<125xi32, #tpu.memory_space<vmem>>) semaphore(%run_scoped3A : memref<!tpu.dma_semaphore, #tpu.memory_space<semaphore_mem>>) {add = true}
            %dma_wait3A_58 = arith.constant 0 : i32
            %dma_wait3A_59 = tpu.memref_slice %arg9[%scan3A_41, %dma_wait3A_58] : memref<32x125xi32, #tpu.memory_space<vmem>> -> memref<1x125xi32, #tpu.memory_space<vmem>>
            %dma_wait3A_60 = tpu.memref_squeeze %dma_wait3A_59 : memref<1x125xi32, #tpu.memory_space<vmem>> -> memref<125xi32, #tpu.memory_space<vmem>>
            %dma_wait3A_61 = arith.constant 0 : i32
            %dma_wait3A_62 = arith.constant 0 : i32
            %dma_wait3A_63 = tpu.memref_slice %arg11[%dma_wait3A_61, %dma_wait3A_62] : memref<10000x128xf32, #tpu.memory_space<vmem_shared>> -> memref<10000x128xf32, #tpu.memory_space<vmem_shared>>
            tpu.wait_indirect_dma semaphore(%run_scoped3A : memref<!tpu.dma_semaphore, #tpu.memory_space<semaphore_mem>>) src(%arg10 : memref<125x128xf32, #tpu.memory_space<vmem>>) dst(%dma_wait3A_63 : memref<10000x128xf32, #tpu.memory_space<vmem_shared>>)
            tpu.yield
          }) : () -> ()
        }
        %scan3A_40 = arith.constant 32 : i32
      }
      %scan3A_20 = arith.constant 5 : i32
      %barrier3A_21 = arith.constant 0 : index
      tpu.barrier barrier_id(%barrier3A_21)
      %lt3A_22 = arith.constant 15 : i32
      %lt3A_23 = arith.cmpi slt, %arg1, %lt3A_22 : i32
      %convert_element_type3A_24 = arith.extui %lt3A_23 : i1 to i32
      %cond3A_25 = arith.constant 0 : i32
      %cond3A_26 = arith.cmpi ne, %convert_element_type3A_24, %cond3A_25 : i32
      scf.if %cond3A_26 {
        %mul3A = arith.constant 624 : i32
        %mul3A_32 = arith.muli %arg1, %mul3A : i32
        %multiple_of3A = tpu.assume_multiple %mul3A_32, 8 : i32
        "tpu.region"() ({
          %run_scoped3A = tpu.sem_alloc : memref<!tpu.dma_semaphore, #tpu.memory_space<semaphore_mem>>
          %dma_start3A = arith.constant 0 : i32
          %dma_start3A_33 = tpu.memref_slice %arg6[%multiple_of3A, %dma_start3A] : memref<10000x128xf32, #tpu.memory_space<hbm>> -> memref<624x128xf32, #tpu.memory_space<hbm>>
          %dma_start3A_34 = arith.constant 0 : i32
          %dma_start3A_35 = tpu.memref_slice %arg11[%multiple_of3A, %dma_start3A_34] : memref<10000x128xf32, #tpu.memory_space<vmem_shared>> -> memref<624x128xf32, #tpu.memory_space<vmem_shared>>
          tpu.enqueue_dma source(%dma_start3A_35 : memref<624x128xf32, #tpu.memory_space<vmem_shared>>) target(%dma_start3A_33 : memref<624x128xf32, #tpu.memory_space<hbm>>) target_semaphore(%run_scoped3A : memref<!tpu.dma_semaphore, #tpu.memory_space<semaphore_mem>>)
          %dma_wait3A = arith.constant 0 : i32
          %dma_wait3A_36 = tpu.memref_slice %arg6[%multiple_of3A, %dma_wait3A] : memref<10000x128xf32, #tpu.memory_space<hbm>> -> memref<624x128xf32, #tpu.memory_space<hbm>>
          %dma_wait3A_37 = arith.constant 0 : i32
          %dma_wait3A_38 = tpu.memref_slice %arg11[%multiple_of3A, %dma_wait3A_37] : memref<10000x128xf32, #tpu.memory_space<vmem_shared>> -> memref<624x128xf32, #tpu.memory_space<vmem_shared>>
          tpu.wait_dma2 semaphore(%run_scoped3A : memref<!tpu.dma_semaphore, #tpu.memory_space<semaphore_mem>>) src(%dma_wait3A_38 : memref<624x128xf32, #tpu.memory_space<vmem_shared>>) dst(%dma_wait3A_36 : memref<624x128xf32, #tpu.memory_space<hbm>>)
          tpu.yield
        }) : () -> ()
      } else {
      }
      %eq3A_27 = arith.constant 15 : i32
      %eq3A_28 = arith.cmpi eq, %arg1, %eq3A_27 : i32
      %convert_element_type3A_29 = arith.extui %eq3A_28 : i1 to i32
      %cond3A_30 = arith.constant 0 : i32
      %cond3A_31 = arith.cmpi ne, %convert_element_type3A_29, %cond3A_30 : i32
      scf.if %cond3A_31 {
        "tpu.region"() ({
          %run_scoped3A = tpu.sem_alloc : memref<!tpu.dma_semaphore, #tpu.memory_space<semaphore_mem>>
          %dma_start3A = arith.constant 9360 : i32
          %dma_start3A_32 = arith.constant 0 : i32
          %dma_start3A_33 = tpu.memref_slice %arg6[%dma_start3A, %dma_start3A_32] : memref<10000x128xf32, #tpu.memory_space<hbm>> -> memref<640x128xf32, #tpu.memory_space<hbm>>
          %dma_start3A_34 = arith.constant 9360 : i32
          %dma_start3A_35 = arith.constant 0 : i32
          %dma_start3A_36 = tpu.memref_slice %arg11[%dma_start3A_34, %dma_start3A_35] : memref<10000x128xf32, #tpu.memory_space<vmem_shared>> -> memref<640x128xf32, #tpu.memory_space<vmem_shared>>
          tpu.enqueue_dma source(%dma_start3A_36 : memref<640x128xf32, #tpu.memory_space<vmem_shared>>) target(%dma_start3A_33 : memref<640x128xf32, #tpu.memory_space<hbm>>) target_semaphore(%run_scoped3A : memref<!tpu.dma_semaphore, #tpu.memory_space<semaphore_mem>>)
          %dma_wait3A = arith.constant 9360 : i32
          %dma_wait3A_37 = arith.constant 0 : i32
          %dma_wait3A_38 = tpu.memref_slice %arg6[%dma_wait3A, %dma_wait3A_37] : memref<10000x128xf32, #tpu.memory_space<hbm>> -> memref<640x128xf32, #tpu.memory_space<hbm>>
          %dma_wait3A_39 = arith.constant 9360 : i32
          %dma_wait3A_40 = arith.constant 0 : i32
          %dma_wait3A_41 = tpu.memref_slice %arg11[%dma_wait3A_39, %dma_wait3A_40] : memref<10000x128xf32, #tpu.memory_space<vmem_shared>> -> memref<640x128xf32, #tpu.memory_space<vmem_shared>>
          tpu.wait_dma2 semaphore(%run_scoped3A : memref<!tpu.dma_semaphore, #tpu.memory_space<semaphore_mem>>) src(%dma_wait3A_41 : memref<640x128xf32, #tpu.memory_space<vmem_shared>>) dst(%dma_wait3A_38 : memref<640x128xf32, #tpu.memory_space<hbm>>)
          tpu.yield
        }) : () -> ()
      } else {
      }
    } else {
    }
    %eq3A_2 = arith.constant 1 : i32
    %eq3A_3 = arith.cmpi eq, %arg0, %eq3A_2 : i32
    %convert_element_type3A_4 = arith.extui %eq3A_3 : i1 to i32
    %cond3A_5 = arith.constant 0 : i32
    %cond3A_6 = arith.cmpi ne, %convert_element_type3A_4, %cond3A_5 : i32
    scf.if %cond3A_6 {
      %lt3A = arith.constant 15 : i32
      %lt3A_7 = arith.cmpi slt, %arg1, %lt3A : i32
      %convert_element_type3A_8 = arith.extui %lt3A_7 : i1 to i32
      %cond3A_9 = arith.constant 0 : i32
      %cond3A_10 = arith.cmpi ne, %convert_element_type3A_8, %cond3A_9 : i32
      scf.if %cond3A_10 {
        %mul3A = arith.constant 624 : i32
        %mul3A_32 = arith.muli %arg1, %mul3A : i32
        %multiple_of3A = tpu.assume_multiple %mul3A_32, 8 : i32
        "tpu.region"() ({
          %run_scoped3A = tpu.sem_alloc : memref<!tpu.dma_semaphore, #tpu.memory_space<semaphore_mem>>
          %dma_start3A = arith.constant 0 : i32
          %dma_start3A_33 = tpu.memref_slice %arg11[%multiple_of3A, %dma_start3A] : memref<10000x128xf32, #tpu.memory_space<vmem_shared>> -> memref<624x128xf32, #tpu.memory_space<vmem_shared>>
          %dma_start3A_34 = arith.constant 0 : i32
          %dma_start3A_35 = tpu.memref_slice %arg3[%multiple_of3A, %dma_start3A_34] : memref<10000x128xf32, #tpu.memory_space<hbm>> -> memref<624x128xf32, #tpu.memory_space<hbm>>
          tpu.enqueue_dma source(%dma_start3A_35 : memref<624x128xf32, #tpu.memory_space<hbm>>) target(%dma_start3A_33 : memref<624x128xf32, #tpu.memory_space<vmem_shared>>) target_semaphore(%run_scoped3A : memref<!tpu.dma_semaphore, #tpu.memory_space<semaphore_mem>>)
          %dma_wait3A = arith.constant 0 : i32
          %dma_wait3A_36 = tpu.memref_slice %arg11[%multiple_of3A, %dma_wait3A] : memref<10000x128xf32, #tpu.memory_space<vmem_shared>> -> memref<624x128xf32, #tpu.memory_space<vmem_shared>>
          %dma_wait3A_37 = arith.constant 0 : i32
          %dma_wait3A_38 = tpu.memref_slice %arg3[%multiple_of3A, %dma_wait3A_37] : memref<10000x128xf32, #tpu.memory_space<hbm>> -> memref<624x128xf32, #tpu.memory_space<hbm>>
          tpu.wait_dma2 semaphore(%run_scoped3A : memref<!tpu.dma_semaphore, #tpu.memory_space<semaphore_mem>>) src(%dma_wait3A_38 : memref<624x128xf32, #tpu.memory_space<hbm>>) dst(%dma_wait3A_36 : memref<624x128xf32, #tpu.memory_space<vmem_shared>>)
          tpu.yield
        }) : () -> ()
      } else {
      }
      %eq3A_11 = arith.constant 15 : i32
      %eq3A_12 = arith.cmpi eq, %arg1, %eq3A_11 : i32
      %convert_element_type3A_13 = arith.extui %eq3A_12 : i1 to i32
      %cond3A_14 = arith.constant 0 : i32
      %cond3A_15 = arith.cmpi ne, %convert_element_type3A_13, %cond3A_14 : i32
      scf.if %cond3A_15 {
        "tpu.region"() ({
          %run_scoped3A = tpu.sem_alloc : memref<!tpu.dma_semaphore, #tpu.memory_space<semaphore_mem>>
          %dma_start3A = arith.constant 9360 : i32
          %dma_start3A_32 = arith.constant 0 : i32
          %dma_start3A_33 = tpu.memref_slice %arg11[%dma_start3A, %dma_start3A_32] : memref<10000x128xf32, #tpu.memory_space<vmem_shared>> -> memref<640x128xf32, #tpu.memory_space<vmem_shared>>
          %dma_start3A_34 = arith.constant 9360 : i32
          %dma_start3A_35 = arith.constant 0 : i32
          %dma_start3A_36 = tpu.memref_slice %arg3[%dma_start3A_34, %dma_start3A_35] : memref<10000x128xf32, #tpu.memory_space<hbm>> -> memref<640x128xf32, #tpu.memory_space<hbm>>
          tpu.enqueue_dma source(%dma_start3A_36 : memref<640x128xf32, #tpu.memory_space<hbm>>) target(%dma_start3A_33 : memref<640x128xf32, #tpu.memory_space<vmem_shared>>) target_semaphore(%run_scoped3A : memref<!tpu.dma_semaphore, #tpu.memory_space<semaphore_mem>>)
          %dma_wait3A = arith.constant 9360 : i32
          %dma_wait3A_37 = arith.constant 0 : i32
          %dma_wait3A_38 = tpu.memref_slice %arg11[%dma_wait3A, %dma_wait3A_37] : memref<10000x128xf32, #tpu.memory_space<vmem_shared>> -> memref<640x128xf32, #tpu.memory_space<vmem_shared>>
          %dma_wait3A_39 = arith.constant 9360 : i32
          %dma_wait3A_40 = arith.constant 0 : i32
          %dma_wait3A_41 = tpu.memref_slice %arg3[%dma_wait3A_39, %dma_wait3A_40] : memref<10000x128xf32, #tpu.memory_space<hbm>> -> memref<640x128xf32, #tpu.memory_space<hbm>>
          tpu.wait_dma2 semaphore(%run_scoped3A : memref<!tpu.dma_semaphore, #tpu.memory_space<semaphore_mem>>) src(%dma_wait3A_41 : memref<640x128xf32, #tpu.memory_space<hbm>>) dst(%dma_wait3A_38 : memref<640x128xf32, #tpu.memory_space<vmem_shared>>)
          tpu.yield
        }) : () -> ()
      } else {
      }
      %barrier3A = arith.constant 0 : index
      tpu.barrier barrier_id(%barrier3A)
      %scan3A = arith.constant 0 : i32
      %scan3A_16 = arith.constant 0 : i32
      %scan3A_17 = arith.constant 5 : i32
      %scan3A_18 = arith.addi %scan3A_16, %scan3A_17 : i32
      %scan3A_19 = arith.constant 1 : i32
      scf.for %scan3A_32 = %scan3A_16 to %scan3A_18 step %scan3A_19  : i32 {
        %mul3A = arith.constant 160 : i32
        %mul3A_33 = arith.muli %arg1, %mul3A : i32
        %mul3A_34 = arith.constant 32 : i32
        %mul3A_35 = arith.muli %scan3A_32, %mul3A_34 : i32
        %add3A = arith.addi %mul3A_33, %mul3A_35 : i32
        %multiple_of3A = tpu.assume_multiple %add3A, 8 : i32
        "tpu.region"() ({
          %run_scoped3A = tpu.sem_alloc : memref<!tpu.dma_semaphore, #tpu.memory_space<semaphore_mem>>
          %dma_start3A = arith.constant 0 : i32
          %dma_start3A_41 = tpu.memref_slice %arg4[%multiple_of3A, %dma_start3A] : memref<2560x125xi32, #tpu.memory_space<hbm>> -> memref<32x125xi32, #tpu.memory_space<hbm>>
          %dma_start3A_42 = arith.constant 0 : i32
          %dma_start3A_43 = tpu.memref_slice %arg4[%multiple_of3A, %dma_start3A_42] : memref<2560x125xi32, #tpu.memory_space<hbm>> -> memref<32x125xi32, #tpu.memory_space<hbm>>
          tpu.enqueue_dma source(%dma_start3A_43 : memref<32x125xi32, #tpu.memory_space<hbm>>) target(%arg8 : memref<32x125xi32, #tpu.memory_space<vmem>>) target_semaphore(%run_scoped3A : memref<!tpu.dma_semaphore, #tpu.memory_space<semaphore_mem>>)
          %dma_wait3A = arith.constant 0 : i32
          %dma_wait3A_44 = tpu.memref_slice %arg4[%multiple_of3A, %dma_wait3A] : memref<2560x125xi32, #tpu.memory_space<hbm>> -> memref<32x125xi32, #tpu.memory_space<hbm>>
          %dma_wait3A_45 = arith.constant 0 : i32
          %dma_wait3A_46 = tpu.memref_slice %arg4[%multiple_of3A, %dma_wait3A_45] : memref<2560x125xi32, #tpu.memory_space<hbm>> -> memref<32x125xi32, #tpu.memory_space<hbm>>
          tpu.wait_dma2 semaphore(%run_scoped3A : memref<!tpu.dma_semaphore, #tpu.memory_space<semaphore_mem>>) src(%dma_wait3A_46 : memref<32x125xi32, #tpu.memory_space<hbm>>) dst(%arg8 : memref<32x125xi32, #tpu.memory_space<vmem>>)
          tpu.yield
        }) : () -> ()
        "tpu.region"() ({
          %run_scoped3A = tpu.sem_alloc : memref<!tpu.dma_semaphore, #tpu.memory_space<semaphore_mem>>
          %dma_start3A = arith.constant 0 : i32
          %dma_start3A_41 = tpu.memref_slice %arg5[%multiple_of3A, %dma_start3A] : memref<2560x125xi32, #tpu.memory_space<hbm>> -> memref<32x125xi32, #tpu.memory_space<hbm>>
          %dma_start3A_42 = arith.constant 0 : i32
          %dma_start3A_43 = tpu.memref_slice %arg5[%multiple_of3A, %dma_start3A_42] : memref<2560x125xi32, #tpu.memory_space<hbm>> -> memref<32x125xi32, #tpu.memory_space<hbm>>
          tpu.enqueue_dma source(%dma_start3A_43 : memref<32x125xi32, #tpu.memory_space<hbm>>) target(%arg9 : memref<32x125xi32, #tpu.memory_space<vmem>>) target_semaphore(%run_scoped3A : memref<!tpu.dma_semaphore, #tpu.memory_space<semaphore_mem>>)
          %dma_wait3A = arith.constant 0 : i32
          %dma_wait3A_44 = tpu.memref_slice %arg5[%multiple_of3A, %dma_wait3A] : memref<2560x125xi32, #tpu.memory_space<hbm>> -> memref<32x125xi32, #tpu.memory_space<hbm>>
          %dma_wait3A_45 = arith.constant 0 : i32
          %dma_wait3A_46 = tpu.memref_slice %arg5[%multiple_of3A, %dma_wait3A_45] : memref<2560x125xi32, #tpu.memory_space<hbm>> -> memref<32x125xi32, #tpu.memory_space<hbm>>
          tpu.wait_dma2 semaphore(%run_scoped3A : memref<!tpu.dma_semaphore, #tpu.memory_space<semaphore_mem>>) src(%dma_wait3A_46 : memref<32x125xi32, #tpu.memory_space<hbm>>) dst(%arg9 : memref<32x125xi32, #tpu.memory_space<vmem>>)
          tpu.yield
        }) : () -> ()
        %scan3A_36 = arith.constant 0 : i32
        %scan3A_37 = arith.constant 32 : i32
        %scan3A_38 = arith.addi %scan3A_36, %scan3A_37 : i32
        %scan3A_39 = arith.constant 1 : i32
        scf.for %scan3A_41 = %scan3A_36 to %scan3A_38 step %scan3A_39  : i32 {
          %dma_start3A = arith.constant 0 : i32
          %dma_start3A_42 = tpu.memref_slice %arg8[%scan3A_41, %dma_start3A] : memref<32x125xi32, #tpu.memory_space<vmem>> -> memref<1x125xi32, #tpu.memory_space<vmem>>
          %dma_start3A_43 = tpu.memref_squeeze %dma_start3A_42 : memref<1x125xi32, #tpu.memory_space<vmem>> -> memref<125xi32, #tpu.memory_space<vmem>>
          %dma_start3A_44 = arith.constant 0 : i32
          %dma_start3A_45 = arith.constant 0 : i32
          %dma_start3A_46 = tpu.memref_slice %arg3[%dma_start3A_44, %dma_start3A_45] : memref<10000x128xf32, #tpu.memory_space<hbm>> -> memref<10000x128xf32, #tpu.memory_space<hbm>>
          tpu.enqueue_indirect_dma source(%dma_start3A_46 : memref<10000x128xf32, #tpu.memory_space<hbm>>) target(%arg10 : memref<125x128xf32, #tpu.memory_space<vmem>>) offsets(%dma_start3A_43 : memref<125xi32, #tpu.memory_space<vmem>>) semaphore(%arg12 : memref<!tpu.dma_semaphore, #tpu.memory_space<semaphore_mem>>)
          %dma_wait3A = arith.constant 0 : i32
          %dma_wait3A_47 = tpu.memref_slice %arg8[%scan3A_41, %dma_wait3A] : memref<32x125xi32, #tpu.memory_space<vmem>> -> memref<1x125xi32, #tpu.memory_space<vmem>>
          %dma_wait3A_48 = tpu.memref_squeeze %dma_wait3A_47 : memref<1x125xi32, #tpu.memory_space<vmem>> -> memref<125xi32, #tpu.memory_space<vmem>>
          %dma_wait3A_49 = arith.constant 0 : i32
          %dma_wait3A_50 = arith.constant 0 : i32
          %dma_wait3A_51 = tpu.memref_slice %arg3[%dma_wait3A_49, %dma_wait3A_50] : memref<10000x128xf32, #tpu.memory_space<hbm>> -> memref<10000x128xf32, #tpu.memory_space<hbm>>
          tpu.wait_indirect_dma semaphore(%arg12 : memref<!tpu.dma_semaphore, #tpu.memory_space<semaphore_mem>>) src(%dma_wait3A_51 : memref<10000x128xf32, #tpu.memory_space<hbm>>) dst(%arg10 : memref<125x128xf32, #tpu.memory_space<vmem>>)
          "tpu.region"() ({
            %run_scoped3A = tpu.sem_alloc : memref<!tpu.dma_semaphore, #tpu.memory_space<semaphore_mem>>
            %dma_start3A_52 = arith.constant 0 : i32
            %dma_start3A_53 = tpu.memref_slice %arg9[%scan3A_41, %dma_start3A_52] : memref<32x125xi32, #tpu.memory_space<vmem>> -> memref<1x125xi32, #tpu.memory_space<vmem>>
            %dma_start3A_54 = tpu.memref_squeeze %dma_start3A_53 : memref<1x125xi32, #tpu.memory_space<vmem>> -> memref<125xi32, #tpu.memory_space<vmem>>
            %dma_start3A_55 = arith.constant 0 : i32
            %dma_start3A_56 = arith.constant 0 : i32
            %dma_start3A_57 = tpu.memref_slice %arg11[%dma_start3A_55, %dma_start3A_56] : memref<10000x128xf32, #tpu.memory_space<vmem_shared>> -> memref<10000x128xf32, #tpu.memory_space<vmem_shared>>
            tpu.enqueue_indirect_dma source(%arg10 : memref<125x128xf32, #tpu.memory_space<vmem>>) target(%dma_start3A_57 : memref<10000x128xf32, #tpu.memory_space<vmem_shared>>) offsets(%dma_start3A_54 : memref<125xi32, #tpu.memory_space<vmem>>) semaphore(%run_scoped3A : memref<!tpu.dma_semaphore, #tpu.memory_space<semaphore_mem>>) {add = true}
            %dma_wait3A_58 = arith.constant 0 : i32
            %dma_wait3A_59 = tpu.memref_slice %arg9[%scan3A_41, %dma_wait3A_58] : memref<32x125xi32, #tpu.memory_space<vmem>> -> memref<1x125xi32, #tpu.memory_space<vmem>>
            %dma_wait3A_60 = tpu.memref_squeeze %dma_wait3A_59 : memref<1x125xi32, #tpu.memory_space<vmem>> -> memref<125xi32, #tpu.memory_space<vmem>>
            %dma_wait3A_61 = arith.constant 0 : i32
            %dma_wait3A_62 = arith.constant 0 : i32
            %dma_wait3A_63 = tpu.memref_slice %arg11[%dma_wait3A_61, %dma_wait3A_62] : memref<10000x128xf32, #tpu.memory_space<vmem_shared>> -> memref<10000x128xf32, #tpu.memory_space<vmem_shared>>
            tpu.wait_indirect_dma semaphore(%run_scoped3A : memref<!tpu.dma_semaphore, #tpu.memory_space<semaphore_mem>>) src(%arg10 : memref<125x128xf32, #tpu.memory_space<vmem>>) dst(%dma_wait3A_63 : memref<10000x128xf32, #tpu.memory_space<vmem_shared>>)
            tpu.yield
          }) : () -> ()
        }
        %scan3A_40 = arith.constant 32 : i32
      }
      %scan3A_20 = arith.constant 5 : i32
      %barrier3A_21 = arith.constant 0 : index
      tpu.barrier barrier_id(%barrier3A_21)
      %lt3A_22 = arith.constant 15 : i32
      %lt3A_23 = arith.cmpi slt, %arg1, %lt3A_22 : i32
      %convert_element_type3A_24 = arith.extui %lt3A_23 : i1 to i32
      %cond3A_25 = arith.constant 0 : i32
      %cond3A_26 = arith.cmpi ne, %convert_element_type3A_24, %cond3A_25 : i32
      scf.if %cond3A_26 {
        %mul3A = arith.constant 624 : i32
        %mul3A_32 = arith.muli %arg1, %mul3A : i32
        %multiple_of3A = tpu.assume_multiple %mul3A_32, 8 : i32
        "tpu.region"() ({
          %run_scoped3A = tpu.sem_alloc : memref<!tpu.dma_semaphore, #tpu.memory_space<semaphore_mem>>
          %dma_start3A = arith.constant 0 : i32
          %dma_start3A_33 = tpu.memref_slice %arg7[%multiple_of3A, %dma_start3A] : memref<10000x128xf32, #tpu.memory_space<hbm>> -> memref<624x128xf32, #tpu.memory_space<hbm>>
          %dma_start3A_34 = arith.constant 0 : i32
          %dma_start3A_35 = tpu.memref_slice %arg11[%multiple_of3A, %dma_start3A_34] : memref<10000x128xf32, #tpu.memory_space<vmem_shared>> -> memref<624x128xf32, #tpu.memory_space<vmem_shared>>
          tpu.enqueue_dma source(%dma_start3A_35 : memref<624x128xf32, #tpu.memory_space<vmem_shared>>) target(%dma_start3A_33 : memref<624x128xf32, #tpu.memory_space<hbm>>) target_semaphore(%run_scoped3A : memref<!tpu.dma_semaphore, #tpu.memory_space<semaphore_mem>>)
          %dma_wait3A = arith.constant 0 : i32
          %dma_wait3A_36 = tpu.memref_slice %arg7[%multiple_of3A, %dma_wait3A] : memref<10000x128xf32, #tpu.memory_space<hbm>> -> memref<624x128xf32, #tpu.memory_space<hbm>>
          %dma_wait3A_37 = arith.constant 0 : i32
          %dma_wait3A_38 = tpu.memref_slice %arg11[%multiple_of3A, %dma_wait3A_37] : memref<10000x128xf32, #tpu.memory_space<vmem_shared>> -> memref<624x128xf32, #tpu.memory_space<vmem_shared>>
          tpu.wait_dma2 semaphore(%run_scoped3A : memref<!tpu.dma_semaphore, #tpu.memory_space<semaphore_mem>>) src(%dma_wait3A_38 : memref<624x128xf32, #tpu.memory_space<vmem_shared>>) dst(%dma_wait3A_36 : memref<624x128xf32, #tpu.memory_space<hbm>>)
          tpu.yield
        }) : () -> ()
      } else {
      }
      %eq3A_27 = arith.constant 15 : i32
      %eq3A_28 = arith.cmpi eq, %arg1, %eq3A_27 : i32
      %convert_element_type3A_29 = arith.extui %eq3A_28 : i1 to i32
      %cond3A_30 = arith.constant 0 : i32
      %cond3A_31 = arith.cmpi ne, %convert_element_type3A_29, %cond3A_30 : i32
      scf.if %cond3A_31 {
        "tpu.region"() ({
          %run_scoped3A = tpu.sem_alloc : memref<!tpu.dma_semaphore, #tpu.memory_space<semaphore_mem>>
          %dma_start3A = arith.constant 9360 : i32
          %dma_start3A_32 = arith.constant 0 : i32
          %dma_start3A_33 = tpu.memref_slice %arg7[%dma_start3A, %dma_start3A_32] : memref<10000x128xf32, #tpu.memory_space<hbm>> -> memref<640x128xf32, #tpu.memory_space<hbm>>
          %dma_start3A_34 = arith.constant 9360 : i32
          %dma_start3A_35 = arith.constant 0 : i32
          %dma_start3A_36 = tpu.memref_slice %arg11[%dma_start3A_34, %dma_start3A_35] : memref<10000x128xf32, #tpu.memory_space<vmem_shared>> -> memref<640x128xf32, #tpu.memory_space<vmem_shared>>
          tpu.enqueue_dma source(%dma_start3A_36 : memref<640x128xf32, #tpu.memory_space<vmem_shared>>) target(%dma_start3A_33 : memref<640x128xf32, #tpu.memory_space<hbm>>) target_semaphore(%run_scoped3A : memref<!tpu.dma_semaphore, #tpu.memory_space<semaphore_mem>>)
          %dma_wait3A = arith.constant 9360 : i32
          %dma_wait3A_37 = arith.constant 0 : i32
          %dma_wait3A_38 = tpu.memref_slice %arg7[%dma_wait3A, %dma_wait3A_37] : memref<10000x128xf32, #tpu.memory_space<hbm>> -> memref<640x128xf32, #tpu.memory_space<hbm>>
          %dma_wait3A_39 = arith.constant 9360 : i32
          %dma_wait3A_40 = arith.constant 0 : i32
          %dma_wait3A_41 = tpu.memref_slice %arg11[%dma_wait3A_39, %dma_wait3A_40] : memref<10000x128xf32, #tpu.memory_space<vmem_shared>> -> memref<640x128xf32, #tpu.memory_space<vmem_shared>>
          tpu.wait_dma2 semaphore(%run_scoped3A : memref<!tpu.dma_semaphore, #tpu.memory_space<semaphore_mem>>) src(%dma_wait3A_41 : memref<640x128xf32, #tpu.memory_space<vmem_shared>>) dst(%dma_wait3A_38 : memref<640x128xf32, #tpu.memory_space<hbm>>)
          tpu.yield
        }) : () -> ()
      } else {
      }
    } else {
    }
    return
  }
}

#map = affine_map<(d0, d1) -> (0, 0)>
module attributes {stable_mosaic.version = 14 : i64} {
  func.func @deg(%arg0: i32, %arg1: i32, %arg2: memref<2560x125xi32, #tpu.memory_space<hbm>>, %arg3: memref<10000x128xf32, #tpu.memory_space<hbm>>, %arg4: memref<125x128xf32, #tpu.memory_space<hbm>>, %arg5: memref<10000x128xf32, #tpu.memory_space<hbm>>, %arg6: memref<10000x128xf32, #tpu.memory_space<hbm>>, %arg7: memref<40x125xi32, #tpu.memory_space<vmem>>, %arg8: memref<125x128xf32, #tpu.memory_space<vmem>>, %arg9: memref<10000x128xf32, #tpu.memory_space<vmem_shared>>) attributes {dimension_semantics = [#tpu.dimension_semantics<core_parallel>, #tpu.dimension_semantics<subcore_parallel>], iteration_bounds = array<i64: 2, 16>, scalar_prefetch = 0 : i64, scratch_operands = 3 : i64, tpu.core_type = #tpu.core_type<sc_vector_subcore>, window_params = [{transform_indices = #map}, {transform_indices = #map}, {transform_indices = #map}, {transform_indices = #map}, {transform_indices = #map}]} {
    %mul3A = arith.constant 16 : i32
    %mul3A_0 = arith.muli %arg0, %mul3A : i32
    %add3A = arith.addi %mul3A_0, %arg1 : i32
    %lt3A = arith.constant 15 : i32
    %lt3A_1 = arith.cmpi slt, %arg1, %lt3A : i32
    %convert_element_type3A = arith.extui %lt3A_1 : i1 to i32
    %cond3A = arith.constant 0 : i32
    %cond3A_2 = arith.cmpi ne, %convert_element_type3A, %cond3A : i32
    scf.if %cond3A_2 {
      %mul3A_23 = arith.constant 624 : i32
      %mul3A_24 = arith.muli %arg1, %mul3A_23 : i32
      %multiple_of3A = tpu.assume_multiple %mul3A_24, 8 : i32
      "tpu.region"() ({
        %run_scoped3A = tpu.sem_alloc : memref<!tpu.dma_semaphore, #tpu.memory_space<semaphore_mem>>
        %dma_start3A = arith.constant 0 : i32
        %dma_start3A_25 = tpu.memref_slice %arg9[%multiple_of3A, %dma_start3A] : memref<10000x128xf32, #tpu.memory_space<vmem_shared>> -> memref<624x128xf32, #tpu.memory_space<vmem_shared>>
        %dma_start3A_26 = arith.constant 0 : i32
        %dma_start3A_27 = tpu.memref_slice %arg3[%multiple_of3A, %dma_start3A_26] : memref<10000x128xf32, #tpu.memory_space<hbm>> -> memref<624x128xf32, #tpu.memory_space<hbm>>
        tpu.enqueue_dma source(%dma_start3A_27 : memref<624x128xf32, #tpu.memory_space<hbm>>) target(%dma_start3A_25 : memref<624x128xf32, #tpu.memory_space<vmem_shared>>) target_semaphore(%run_scoped3A : memref<!tpu.dma_semaphore, #tpu.memory_space<semaphore_mem>>)
        %dma_wait3A = arith.constant 0 : i32
        %dma_wait3A_28 = tpu.memref_slice %arg9[%multiple_of3A, %dma_wait3A] : memref<10000x128xf32, #tpu.memory_space<vmem_shared>> -> memref<624x128xf32, #tpu.memory_space<vmem_shared>>
        %dma_wait3A_29 = arith.constant 0 : i32
        %dma_wait3A_30 = tpu.memref_slice %arg3[%multiple_of3A, %dma_wait3A_29] : memref<10000x128xf32, #tpu.memory_space<hbm>> -> memref<624x128xf32, #tpu.memory_space<hbm>>
        tpu.wait_dma2 semaphore(%run_scoped3A : memref<!tpu.dma_semaphore, #tpu.memory_space<semaphore_mem>>) src(%dma_wait3A_30 : memref<624x128xf32, #tpu.memory_space<hbm>>) dst(%dma_wait3A_28 : memref<624x128xf32, #tpu.memory_space<vmem_shared>>)
        tpu.yield
      }) : () -> ()
    } else {
    }
    %eq3A = arith.constant 15 : i32
    %eq3A_3 = arith.cmpi eq, %arg1, %eq3A : i32
    %convert_element_type3A_4 = arith.extui %eq3A_3 : i1 to i32
    %cond3A_5 = arith.constant 0 : i32
    %cond3A_6 = arith.cmpi ne, %convert_element_type3A_4, %cond3A_5 : i32
    scf.if %cond3A_6 {
      "tpu.region"() ({
        %run_scoped3A = tpu.sem_alloc : memref<!tpu.dma_semaphore, #tpu.memory_space<semaphore_mem>>
        %dma_start3A = arith.constant 9360 : i32
        %dma_start3A_23 = arith.constant 0 : i32
        %dma_start3A_24 = tpu.memref_slice %arg9[%dma_start3A, %dma_start3A_23] : memref<10000x128xf32, #tpu.memory_space<vmem_shared>> -> memref<640x128xf32, #tpu.memory_space<vmem_shared>>
        %dma_start3A_25 = arith.constant 9360 : i32
        %dma_start3A_26 = arith.constant 0 : i32
        %dma_start3A_27 = tpu.memref_slice %arg3[%dma_start3A_25, %dma_start3A_26] : memref<10000x128xf32, #tpu.memory_space<hbm>> -> memref<640x128xf32, #tpu.memory_space<hbm>>
        tpu.enqueue_dma source(%dma_start3A_27 : memref<640x128xf32, #tpu.memory_space<hbm>>) target(%dma_start3A_24 : memref<640x128xf32, #tpu.memory_space<vmem_shared>>) target_semaphore(%run_scoped3A : memref<!tpu.dma_semaphore, #tpu.memory_space<semaphore_mem>>)
        %dma_wait3A = arith.constant 9360 : i32
        %dma_wait3A_28 = arith.constant 0 : i32
        %dma_wait3A_29 = tpu.memref_slice %arg9[%dma_wait3A, %dma_wait3A_28] : memref<10000x128xf32, #tpu.memory_space<vmem_shared>> -> memref<640x128xf32, #tpu.memory_space<vmem_shared>>
        %dma_wait3A_30 = arith.constant 9360 : i32
        %dma_wait3A_31 = arith.constant 0 : i32
        %dma_wait3A_32 = tpu.memref_slice %arg3[%dma_wait3A_30, %dma_wait3A_31] : memref<10000x128xf32, #tpu.memory_space<hbm>> -> memref<640x128xf32, #tpu.memory_space<hbm>>
        tpu.wait_dma2 semaphore(%run_scoped3A : memref<!tpu.dma_semaphore, #tpu.memory_space<semaphore_mem>>) src(%dma_wait3A_32 : memref<640x128xf32, #tpu.memory_space<hbm>>) dst(%dma_wait3A_29 : memref<640x128xf32, #tpu.memory_space<vmem_shared>>)
        tpu.yield
      }) : () -> ()
    } else {
    }
    "tpu.region"() ({
      %run_scoped3A = tpu.sem_alloc : memref<!tpu.dma_semaphore, #tpu.memory_space<semaphore_mem>>
      tpu.enqueue_dma source(%arg4 : memref<125x128xf32, #tpu.memory_space<hbm>>) target(%arg8 : memref<125x128xf32, #tpu.memory_space<vmem>>) target_semaphore(%run_scoped3A : memref<!tpu.dma_semaphore, #tpu.memory_space<semaphore_mem>>)
      tpu.wait_dma2 semaphore(%run_scoped3A : memref<!tpu.dma_semaphore, #tpu.memory_space<semaphore_mem>>) src(%arg4 : memref<125x128xf32, #tpu.memory_space<hbm>>) dst(%arg8 : memref<125x128xf32, #tpu.memory_space<vmem>>)
      tpu.yield
    }) : () -> ()
    %barrier3A = arith.constant 0 : index
    tpu.barrier barrier_id(%barrier3A)
    %scan3A = arith.constant 0 : i32
    %scan3A_7 = arith.constant 0 : i32
    %scan3A_8 = arith.constant 2 : i32
    %scan3A_9 = arith.addi %scan3A_7, %scan3A_8 : i32
    %scan3A_10 = arith.constant 1 : i32
    scf.for %scan3A_23 = %scan3A_7 to %scan3A_9 step %scan3A_10  : i32 {
      %mul3A_24 = arith.constant 80 : i32
      %mul3A_25 = arith.muli %add3A, %mul3A_24 : i32
      %mul3A_26 = arith.constant 40 : i32
      %mul3A_27 = arith.muli %scan3A_23, %mul3A_26 : i32
      %add3A_28 = arith.addi %mul3A_25, %mul3A_27 : i32
      %multiple_of3A = tpu.assume_multiple %add3A_28, 8 : i32
      "tpu.region"() ({
        %run_scoped3A = tpu.sem_alloc : memref<!tpu.dma_semaphore, #tpu.memory_space<semaphore_mem>>
        %dma_start3A = arith.constant 0 : i32
        %dma_start3A_34 = tpu.memref_slice %arg2[%multiple_of3A, %dma_start3A] : memref<2560x125xi32, #tpu.memory_space<hbm>> -> memref<40x125xi32, #tpu.memory_space<hbm>>
        %dma_start3A_35 = arith.constant 0 : i32
        %dma_start3A_36 = tpu.memref_slice %arg2[%multiple_of3A, %dma_start3A_35] : memref<2560x125xi32, #tpu.memory_space<hbm>> -> memref<40x125xi32, #tpu.memory_space<hbm>>
        tpu.enqueue_dma source(%dma_start3A_36 : memref<40x125xi32, #tpu.memory_space<hbm>>) target(%arg7 : memref<40x125xi32, #tpu.memory_space<vmem>>) target_semaphore(%run_scoped3A : memref<!tpu.dma_semaphore, #tpu.memory_space<semaphore_mem>>)
        %dma_wait3A = arith.constant 0 : i32
        %dma_wait3A_37 = tpu.memref_slice %arg2[%multiple_of3A, %dma_wait3A] : memref<2560x125xi32, #tpu.memory_space<hbm>> -> memref<40x125xi32, #tpu.memory_space<hbm>>
        %dma_wait3A_38 = arith.constant 0 : i32
        %dma_wait3A_39 = tpu.memref_slice %arg2[%multiple_of3A, %dma_wait3A_38] : memref<2560x125xi32, #tpu.memory_space<hbm>> -> memref<40x125xi32, #tpu.memory_space<hbm>>
        tpu.wait_dma2 semaphore(%run_scoped3A : memref<!tpu.dma_semaphore, #tpu.memory_space<semaphore_mem>>) src(%dma_wait3A_39 : memref<40x125xi32, #tpu.memory_space<hbm>>) dst(%arg7 : memref<40x125xi32, #tpu.memory_space<vmem>>)
        tpu.yield
      }) : () -> ()
      %scan3A_29 = arith.constant 0 : i32
      %scan3A_30 = arith.constant 40 : i32
      %scan3A_31 = arith.addi %scan3A_29, %scan3A_30 : i32
      %scan3A_32 = arith.constant 1 : i32
      scf.for %scan3A_34 = %scan3A_29 to %scan3A_31 step %scan3A_32  : i32 {
        "tpu.region"() ({
          %run_scoped3A = tpu.sem_alloc : memref<!tpu.dma_semaphore, #tpu.memory_space<semaphore_mem>>
          %dma_start3A = arith.constant 0 : i32
          %dma_start3A_35 = tpu.memref_slice %arg7[%scan3A_34, %dma_start3A] : memref<40x125xi32, #tpu.memory_space<vmem>> -> memref<1x125xi32, #tpu.memory_space<vmem>>
          %dma_start3A_36 = tpu.memref_squeeze %dma_start3A_35 : memref<1x125xi32, #tpu.memory_space<vmem>> -> memref<125xi32, #tpu.memory_space<vmem>>
          %dma_start3A_37 = arith.constant 0 : i32
          %dma_start3A_38 = arith.constant 0 : i32
          %dma_start3A_39 = tpu.memref_slice %arg9[%dma_start3A_37, %dma_start3A_38] : memref<10000x128xf32, #tpu.memory_space<vmem_shared>> -> memref<10000x128xf32, #tpu.memory_space<vmem_shared>>
          tpu.enqueue_indirect_dma source(%arg8 : memref<125x128xf32, #tpu.memory_space<vmem>>) target(%dma_start3A_39 : memref<10000x128xf32, #tpu.memory_space<vmem_shared>>) offsets(%dma_start3A_36 : memref<125xi32, #tpu.memory_space<vmem>>) semaphore(%run_scoped3A : memref<!tpu.dma_semaphore, #tpu.memory_space<semaphore_mem>>) {add = true}
          %dma_wait3A = arith.constant 0 : i32
          %dma_wait3A_40 = tpu.memref_slice %arg7[%scan3A_34, %dma_wait3A] : memref<40x125xi32, #tpu.memory_space<vmem>> -> memref<1x125xi32, #tpu.memory_space<vmem>>
          %dma_wait3A_41 = tpu.memref_squeeze %dma_wait3A_40 : memref<1x125xi32, #tpu.memory_space<vmem>> -> memref<125xi32, #tpu.memory_space<vmem>>
          %dma_wait3A_42 = arith.constant 0 : i32
          %dma_wait3A_43 = arith.constant 0 : i32
          %dma_wait3A_44 = tpu.memref_slice %arg9[%dma_wait3A_42, %dma_wait3A_43] : memref<10000x128xf32, #tpu.memory_space<vmem_shared>> -> memref<10000x128xf32, #tpu.memory_space<vmem_shared>>
          tpu.wait_indirect_dma semaphore(%run_scoped3A : memref<!tpu.dma_semaphore, #tpu.memory_space<semaphore_mem>>) src(%arg8 : memref<125x128xf32, #tpu.memory_space<vmem>>) dst(%dma_wait3A_44 : memref<10000x128xf32, #tpu.memory_space<vmem_shared>>)
          tpu.yield
        }) : () -> ()
      }
      %scan3A_33 = arith.constant 40 : i32
    }
    %scan3A_11 = arith.constant 2 : i32
    %barrier3A_12 = arith.constant 0 : index
    tpu.barrier barrier_id(%barrier3A_12)
    %eq3A_13 = arith.constant 0 : i32
    %eq3A_14 = arith.cmpi eq, %arg0, %eq3A_13 : i32
    %convert_element_type3A_15 = arith.extui %eq3A_14 : i1 to i32
    %cond3A_16 = arith.constant 0 : i32
    %cond3A_17 = arith.cmpi ne, %convert_element_type3A_15, %cond3A_16 : i32
    scf.if %cond3A_17 {
      %lt3A_23 = arith.constant 15 : i32
      %lt3A_24 = arith.cmpi slt, %arg1, %lt3A_23 : i32
      %convert_element_type3A_25 = arith.extui %lt3A_24 : i1 to i32
      %cond3A_26 = arith.constant 0 : i32
      %cond3A_27 = arith.cmpi ne, %convert_element_type3A_25, %cond3A_26 : i32
      scf.if %cond3A_27 {
        %mul3A_33 = arith.constant 624 : i32
        %mul3A_34 = arith.muli %arg1, %mul3A_33 : i32
        %multiple_of3A = tpu.assume_multiple %mul3A_34, 8 : i32
        "tpu.region"() ({
          %run_scoped3A = tpu.sem_alloc : memref<!tpu.dma_semaphore, #tpu.memory_space<semaphore_mem>>
          %dma_start3A = arith.constant 0 : i32
          %dma_start3A_35 = tpu.memref_slice %arg5[%multiple_of3A, %dma_start3A] : memref<10000x128xf32, #tpu.memory_space<hbm>> -> memref<624x128xf32, #tpu.memory_space<hbm>>
          %dma_start3A_36 = arith.constant 0 : i32
          %dma_start3A_37 = tpu.memref_slice %arg9[%multiple_of3A, %dma_start3A_36] : memref<10000x128xf32, #tpu.memory_space<vmem_shared>> -> memref<624x128xf32, #tpu.memory_space<vmem_shared>>
          tpu.enqueue_dma source(%dma_start3A_37 : memref<624x128xf32, #tpu.memory_space<vmem_shared>>) target(%dma_start3A_35 : memref<624x128xf32, #tpu.memory_space<hbm>>) target_semaphore(%run_scoped3A : memref<!tpu.dma_semaphore, #tpu.memory_space<semaphore_mem>>)
          %dma_wait3A = arith.constant 0 : i32
          %dma_wait3A_38 = tpu.memref_slice %arg5[%multiple_of3A, %dma_wait3A] : memref<10000x128xf32, #tpu.memory_space<hbm>> -> memref<624x128xf32, #tpu.memory_space<hbm>>
          %dma_wait3A_39 = arith.constant 0 : i32
          %dma_wait3A_40 = tpu.memref_slice %arg9[%multiple_of3A, %dma_wait3A_39] : memref<10000x128xf32, #tpu.memory_space<vmem_shared>> -> memref<624x128xf32, #tpu.memory_space<vmem_shared>>
          tpu.wait_dma2 semaphore(%run_scoped3A : memref<!tpu.dma_semaphore, #tpu.memory_space<semaphore_mem>>) src(%dma_wait3A_40 : memref<624x128xf32, #tpu.memory_space<vmem_shared>>) dst(%dma_wait3A_38 : memref<624x128xf32, #tpu.memory_space<hbm>>)
          tpu.yield
        }) : () -> ()
      } else {
      }
      %eq3A_28 = arith.constant 15 : i32
      %eq3A_29 = arith.cmpi eq, %arg1, %eq3A_28 : i32
      %convert_element_type3A_30 = arith.extui %eq3A_29 : i1 to i32
      %cond3A_31 = arith.constant 0 : i32
      %cond3A_32 = arith.cmpi ne, %convert_element_type3A_30, %cond3A_31 : i32
      scf.if %cond3A_32 {
        "tpu.region"() ({
          %run_scoped3A = tpu.sem_alloc : memref<!tpu.dma_semaphore, #tpu.memory_space<semaphore_mem>>
          %dma_start3A = arith.constant 9360 : i32
          %dma_start3A_33 = arith.constant 0 : i32
          %dma_start3A_34 = tpu.memref_slice %arg5[%dma_start3A, %dma_start3A_33] : memref<10000x128xf32, #tpu.memory_space<hbm>> -> memref<640x128xf32, #tpu.memory_space<hbm>>
          %dma_start3A_35 = arith.constant 9360 : i32
          %dma_start3A_36 = arith.constant 0 : i32
          %dma_start3A_37 = tpu.memref_slice %arg9[%dma_start3A_35, %dma_start3A_36] : memref<10000x128xf32, #tpu.memory_space<vmem_shared>> -> memref<640x128xf32, #tpu.memory_space<vmem_shared>>
          tpu.enqueue_dma source(%dma_start3A_37 : memref<640x128xf32, #tpu.memory_space<vmem_shared>>) target(%dma_start3A_34 : memref<640x128xf32, #tpu.memory_space<hbm>>) target_semaphore(%run_scoped3A : memref<!tpu.dma_semaphore, #tpu.memory_space<semaphore_mem>>)
          %dma_wait3A = arith.constant 9360 : i32
          %dma_wait3A_38 = arith.constant 0 : i32
          %dma_wait3A_39 = tpu.memref_slice %arg5[%dma_wait3A, %dma_wait3A_38] : memref<10000x128xf32, #tpu.memory_space<hbm>> -> memref<640x128xf32, #tpu.memory_space<hbm>>
          %dma_wait3A_40 = arith.constant 9360 : i32
          %dma_wait3A_41 = arith.constant 0 : i32
          %dma_wait3A_42 = tpu.memref_slice %arg9[%dma_wait3A_40, %dma_wait3A_41] : memref<10000x128xf32, #tpu.memory_space<vmem_shared>> -> memref<640x128xf32, #tpu.memory_space<vmem_shared>>
          tpu.wait_dma2 semaphore(%run_scoped3A : memref<!tpu.dma_semaphore, #tpu.memory_space<semaphore_mem>>) src(%dma_wait3A_42 : memref<640x128xf32, #tpu.memory_space<vmem_shared>>) dst(%dma_wait3A_39 : memref<640x128xf32, #tpu.memory_space<hbm>>)
          tpu.yield
        }) : () -> ()
      } else {
      }
    } else {
    }
    %eq3A_18 = arith.constant 1 : i32
    %eq3A_19 = arith.cmpi eq, %arg0, %eq3A_18 : i32
    %convert_element_type3A_20 = arith.extui %eq3A_19 : i1 to i32
    %cond3A_21 = arith.constant 0 : i32
    %cond3A_22 = arith.cmpi ne, %convert_element_type3A_20, %cond3A_21 : i32
    scf.if %cond3A_22 {
      %lt3A_23 = arith.constant 15 : i32
      %lt3A_24 = arith.cmpi slt, %arg1, %lt3A_23 : i32
      %convert_element_type3A_25 = arith.extui %lt3A_24 : i1 to i32
      %cond3A_26 = arith.constant 0 : i32
      %cond3A_27 = arith.cmpi ne, %convert_element_type3A_25, %cond3A_26 : i32
      scf.if %cond3A_27 {
        %mul3A_33 = arith.constant 624 : i32
        %mul3A_34 = arith.muli %arg1, %mul3A_33 : i32
        %multiple_of3A = tpu.assume_multiple %mul3A_34, 8 : i32
        "tpu.region"() ({
          %run_scoped3A = tpu.sem_alloc : memref<!tpu.dma_semaphore, #tpu.memory_space<semaphore_mem>>
          %dma_start3A = arith.constant 0 : i32
          %dma_start3A_35 = tpu.memref_slice %arg6[%multiple_of3A, %dma_start3A] : memref<10000x128xf32, #tpu.memory_space<hbm>> -> memref<624x128xf32, #tpu.memory_space<hbm>>
          %dma_start3A_36 = arith.constant 0 : i32
          %dma_start3A_37 = tpu.memref_slice %arg9[%multiple_of3A, %dma_start3A_36] : memref<10000x128xf32, #tpu.memory_space<vmem_shared>> -> memref<624x128xf32, #tpu.memory_space<vmem_shared>>
          tpu.enqueue_dma source(%dma_start3A_37 : memref<624x128xf32, #tpu.memory_space<vmem_shared>>) target(%dma_start3A_35 : memref<624x128xf32, #tpu.memory_space<hbm>>) target_semaphore(%run_scoped3A : memref<!tpu.dma_semaphore, #tpu.memory_space<semaphore_mem>>)
          %dma_wait3A = arith.constant 0 : i32
          %dma_wait3A_38 = tpu.memref_slice %arg6[%multiple_of3A, %dma_wait3A] : memref<10000x128xf32, #tpu.memory_space<hbm>> -> memref<624x128xf32, #tpu.memory_space<hbm>>
          %dma_wait3A_39 = arith.constant 0 : i32
          %dma_wait3A_40 = tpu.memref_slice %arg9[%multiple_of3A, %dma_wait3A_39] : memref<10000x128xf32, #tpu.memory_space<vmem_shared>> -> memref<624x128xf32, #tpu.memory_space<vmem_shared>>
          tpu.wait_dma2 semaphore(%run_scoped3A : memref<!tpu.dma_semaphore, #tpu.memory_space<semaphore_mem>>) src(%dma_wait3A_40 : memref<624x128xf32, #tpu.memory_space<vmem_shared>>) dst(%dma_wait3A_38 : memref<624x128xf32, #tpu.memory_space<hbm>>)
          tpu.yield
        }) : () -> ()
      } else {
      }
      %eq3A_28 = arith.constant 15 : i32
      %eq3A_29 = arith.cmpi eq, %arg1, %eq3A_28 : i32
      %convert_element_type3A_30 = arith.extui %eq3A_29 : i1 to i32
      %cond3A_31 = arith.constant 0 : i32
      %cond3A_32 = arith.cmpi ne, %convert_element_type3A_30, %cond3A_31 : i32
      scf.if %cond3A_32 {
        "tpu.region"() ({
          %run_scoped3A = tpu.sem_alloc : memref<!tpu.dma_semaphore, #tpu.memory_space<semaphore_mem>>
          %dma_start3A = arith.constant 9360 : i32
          %dma_start3A_33 = arith.constant 0 : i32
          %dma_start3A_34 = tpu.memref_slice %arg6[%dma_start3A, %dma_start3A_33] : memref<10000x128xf32, #tpu.memory_space<hbm>> -> memref<640x128xf32, #tpu.memory_space<hbm>>
          %dma_start3A_35 = arith.constant 9360 : i32
          %dma_start3A_36 = arith.constant 0 : i32
          %dma_start3A_37 = tpu.memref_slice %arg9[%dma_start3A_35, %dma_start3A_36] : memref<10000x128xf32, #tpu.memory_space<vmem_shared>> -> memref<640x128xf32, #tpu.memory_space<vmem_shared>>
          tpu.enqueue_dma source(%dma_start3A_37 : memref<640x128xf32, #tpu.memory_space<vmem_shared>>) target(%dma_start3A_34 : memref<640x128xf32, #tpu.memory_space<hbm>>) target_semaphore(%run_scoped3A : memref<!tpu.dma_semaphore, #tpu.memory_space<semaphore_mem>>)
          %dma_wait3A = arith.constant 9360 : i32
          %dma_wait3A_38 = arith.constant 0 : i32
          %dma_wait3A_39 = tpu.memref_slice %arg6[%dma_wait3A, %dma_wait3A_38] : memref<10000x128xf32, #tpu.memory_space<hbm>> -> memref<640x128xf32, #tpu.memory_space<hbm>>
          %dma_wait3A_40 = arith.constant 9360 : i32
          %dma_wait3A_41 = arith.constant 0 : i32
          %dma_wait3A_42 = tpu.memref_slice %arg9[%dma_wait3A_40, %dma_wait3A_41] : memref<10000x128xf32, #tpu.memory_space<vmem_shared>> -> memref<640x128xf32, #tpu.memory_space<vmem_shared>>
          tpu.wait_dma2 semaphore(%run_scoped3A : memref<!tpu.dma_semaphore, #tpu.memory_space<semaphore_mem>>) src(%dma_wait3A_42 : memref<640x128xf32, #tpu.memory_space<vmem_shared>>) dst(%dma_wait3A_39 : memref<640x128xf32, #tpu.memory_space<hbm>>)
          tpu.yield
        }) : () -> ()
      } else {
      }
    } else {
    }
    return
  }
}

#map = affine_map<(d0, d1) -> (0, 0)>
module attributes {stable_mosaic.version = 14 : i64} {
  func.func @prop(%arg0: i32, %arg1: i32, %arg2: memref<10000x128xf32, #tpu.memory_space<hbm>>, %arg3: memref<10000x128xf32, #tpu.memory_space<hbm>>, %arg4: memref<2560x125xi32, #tpu.memory_space<hbm>>, %arg5: memref<2560x125xi32, #tpu.memory_space<hbm>>, %arg6: memref<10000x128xf32, #tpu.memory_space<hbm>>, %arg7: memref<10000x128xf32, #tpu.memory_space<hbm>>, %arg8: memref<32x125xi32, #tpu.memory_space<vmem>>, %arg9: memref<32x125xi32, #tpu.memory_space<vmem>>, %arg10: memref<125x128xf32, #tpu.memory_space<vmem>>, %arg11: memref<10000x128xf32, #tpu.memory_space<vmem_shared>>, %arg12: memref<!tpu.dma_semaphore, #tpu.memory_space<semaphore_mem>>) attributes {dimension_semantics = [#tpu.dimension_semantics<core_parallel>, #tpu.dimension_semantics<subcore_parallel>], iteration_bounds = array<i64: 2, 16>, scalar_prefetch = 0 : i64, scratch_operands = 5 : i64, tpu.core_type = #tpu.core_type<sc_vector_subcore>, window_params = [{transform_indices = #map}, {transform_indices = #map}, {transform_indices = #map}, {transform_indices = #map}, {transform_indices = #map}, {transform_indices = #map}]} {
    %eq3A = arith.constant 0 : i32
    %eq3A_0 = arith.cmpi eq, %arg0, %eq3A : i32
    %convert_element_type3A = arith.extui %eq3A_0 : i1 to i32
    %cond3A = arith.constant 0 : i32
    %cond3A_1 = arith.cmpi ne, %convert_element_type3A, %cond3A : i32
    scf.if %cond3A_1 {
      %lt3A = arith.constant 15 : i32
      %lt3A_7 = arith.cmpi slt, %arg1, %lt3A : i32
      %convert_element_type3A_8 = arith.extui %lt3A_7 : i1 to i32
      %cond3A_9 = arith.constant 0 : i32
      %cond3A_10 = arith.cmpi ne, %convert_element_type3A_8, %cond3A_9 : i32
      scf.if %cond3A_10 {
        %mul3A = arith.constant 624 : i32
        %mul3A_32 = arith.muli %arg1, %mul3A : i32
        %multiple_of3A = tpu.assume_multiple %mul3A_32, 8 : i32
        "tpu.region"() ({
          %run_scoped3A = tpu.sem_alloc : memref<!tpu.dma_semaphore, #tpu.memory_space<semaphore_mem>>
          %dma_start3A = arith.constant 0 : i32
          %dma_start3A_33 = tpu.memref_slice %arg11[%multiple_of3A, %dma_start3A] : memref<10000x128xf32, #tpu.memory_space<vmem_shared>> -> memref<624x128xf32, #tpu.memory_space<vmem_shared>>
          %dma_start3A_34 = arith.constant 0 : i32
          %dma_start3A_35 = tpu.memref_slice %arg2[%multiple_of3A, %dma_start3A_34] : memref<10000x128xf32, #tpu.memory_space<hbm>> -> memref<624x128xf32, #tpu.memory_space<hbm>>
          tpu.enqueue_dma source(%dma_start3A_35 : memref<624x128xf32, #tpu.memory_space<hbm>>) target(%dma_start3A_33 : memref<624x128xf32, #tpu.memory_space<vmem_shared>>) target_semaphore(%run_scoped3A : memref<!tpu.dma_semaphore, #tpu.memory_space<semaphore_mem>>)
          %dma_wait3A = arith.constant 0 : i32
          %dma_wait3A_36 = tpu.memref_slice %arg11[%multiple_of3A, %dma_wait3A] : memref<10000x128xf32, #tpu.memory_space<vmem_shared>> -> memref<624x128xf32, #tpu.memory_space<vmem_shared>>
          %dma_wait3A_37 = arith.constant 0 : i32
          %dma_wait3A_38 = tpu.memref_slice %arg2[%multiple_of3A, %dma_wait3A_37] : memref<10000x128xf32, #tpu.memory_space<hbm>> -> memref<624x128xf32, #tpu.memory_space<hbm>>
          tpu.wait_dma2 semaphore(%run_scoped3A : memref<!tpu.dma_semaphore, #tpu.memory_space<semaphore_mem>>) src(%dma_wait3A_38 : memref<624x128xf32, #tpu.memory_space<hbm>>) dst(%dma_wait3A_36 : memref<624x128xf32, #tpu.memory_space<vmem_shared>>)
          tpu.yield
        }) : () -> ()
      } else {
      }
      %eq3A_11 = arith.constant 15 : i32
      %eq3A_12 = arith.cmpi eq, %arg1, %eq3A_11 : i32
      %convert_element_type3A_13 = arith.extui %eq3A_12 : i1 to i32
      %cond3A_14 = arith.constant 0 : i32
      %cond3A_15 = arith.cmpi ne, %convert_element_type3A_13, %cond3A_14 : i32
      scf.if %cond3A_15 {
        "tpu.region"() ({
          %run_scoped3A = tpu.sem_alloc : memref<!tpu.dma_semaphore, #tpu.memory_space<semaphore_mem>>
          %dma_start3A = arith.constant 9360 : i32
          %dma_start3A_32 = arith.constant 0 : i32
          %dma_start3A_33 = tpu.memref_slice %arg11[%dma_start3A, %dma_start3A_32] : memref<10000x128xf32, #tpu.memory_space<vmem_shared>> -> memref<640x128xf32, #tpu.memory_space<vmem_shared>>
          %dma_start3A_34 = arith.constant 9360 : i32
          %dma_start3A_35 = arith.constant 0 : i32
          %dma_start3A_36 = tpu.memref_slice %arg2[%dma_start3A_34, %dma_start3A_35] : memref<10000x128xf32, #tpu.memory_space<hbm>> -> memref<640x128xf32, #tpu.memory_space<hbm>>
          tpu.enqueue_dma source(%dma_start3A_36 : memref<640x128xf32, #tpu.memory_space<hbm>>) target(%dma_start3A_33 : memref<640x128xf32, #tpu.memory_space<vmem_shared>>) target_semaphore(%run_scoped3A : memref<!tpu.dma_semaphore, #tpu.memory_space<semaphore_mem>>)
          %dma_wait3A = arith.constant 9360 : i32
          %dma_wait3A_37 = arith.constant 0 : i32
          %dma_wait3A_38 = tpu.memref_slice %arg11[%dma_wait3A, %dma_wait3A_37] : memref<10000x128xf32, #tpu.memory_space<vmem_shared>> -> memref<640x128xf32, #tpu.memory_space<vmem_shared>>
          %dma_wait3A_39 = arith.constant 9360 : i32
          %dma_wait3A_40 = arith.constant 0 : i32
          %dma_wait3A_41 = tpu.memref_slice %arg2[%dma_wait3A_39, %dma_wait3A_40] : memref<10000x128xf32, #tpu.memory_space<hbm>> -> memref<640x128xf32, #tpu.memory_space<hbm>>
          tpu.wait_dma2 semaphore(%run_scoped3A : memref<!tpu.dma_semaphore, #tpu.memory_space<semaphore_mem>>) src(%dma_wait3A_41 : memref<640x128xf32, #tpu.memory_space<hbm>>) dst(%dma_wait3A_38 : memref<640x128xf32, #tpu.memory_space<vmem_shared>>)
          tpu.yield
        }) : () -> ()
      } else {
      }
      %barrier3A = arith.constant 0 : index
      tpu.barrier barrier_id(%barrier3A)
      %scan3A = arith.constant 0 : i32
      %scan3A_16 = arith.constant 0 : i32
      %scan3A_17 = arith.constant 5 : i32
      %scan3A_18 = arith.addi %scan3A_16, %scan3A_17 : i32
      %scan3A_19 = arith.constant 1 : i32
      scf.for %scan3A_32 = %scan3A_16 to %scan3A_18 step %scan3A_19  : i32 {
        %mul3A = arith.constant 160 : i32
        %mul3A_33 = arith.muli %arg1, %mul3A : i32
        %mul3A_34 = arith.constant 32 : i32
        %mul3A_35 = arith.muli %scan3A_32, %mul3A_34 : i32
        %add3A = arith.addi %mul3A_33, %mul3A_35 : i32
        %multiple_of3A = tpu.assume_multiple %add3A, 8 : i32
        "tpu.region"() ({
          %run_scoped3A = tpu.sem_alloc : memref<!tpu.dma_semaphore, #tpu.memory_space<semaphore_mem>>
          %dma_start3A = arith.constant 0 : i32
          %dma_start3A_41 = tpu.memref_slice %arg4[%multiple_of3A, %dma_start3A] : memref<2560x125xi32, #tpu.memory_space<hbm>> -> memref<32x125xi32, #tpu.memory_space<hbm>>
          %dma_start3A_42 = arith.constant 0 : i32
          %dma_start3A_43 = tpu.memref_slice %arg4[%multiple_of3A, %dma_start3A_42] : memref<2560x125xi32, #tpu.memory_space<hbm>> -> memref<32x125xi32, #tpu.memory_space<hbm>>
          tpu.enqueue_dma source(%dma_start3A_43 : memref<32x125xi32, #tpu.memory_space<hbm>>) target(%arg8 : memref<32x125xi32, #tpu.memory_space<vmem>>) target_semaphore(%run_scoped3A : memref<!tpu.dma_semaphore, #tpu.memory_space<semaphore_mem>>)
          %dma_wait3A = arith.constant 0 : i32
          %dma_wait3A_44 = tpu.memref_slice %arg4[%multiple_of3A, %dma_wait3A] : memref<2560x125xi32, #tpu.memory_space<hbm>> -> memref<32x125xi32, #tpu.memory_space<hbm>>
          %dma_wait3A_45 = arith.constant 0 : i32
          %dma_wait3A_46 = tpu.memref_slice %arg4[%multiple_of3A, %dma_wait3A_45] : memref<2560x125xi32, #tpu.memory_space<hbm>> -> memref<32x125xi32, #tpu.memory_space<hbm>>
          tpu.wait_dma2 semaphore(%run_scoped3A : memref<!tpu.dma_semaphore, #tpu.memory_space<semaphore_mem>>) src(%dma_wait3A_46 : memref<32x125xi32, #tpu.memory_space<hbm>>) dst(%arg8 : memref<32x125xi32, #tpu.memory_space<vmem>>)
          tpu.yield
        }) : () -> ()
        "tpu.region"() ({
          %run_scoped3A = tpu.sem_alloc : memref<!tpu.dma_semaphore, #tpu.memory_space<semaphore_mem>>
          %dma_start3A = arith.constant 0 : i32
          %dma_start3A_41 = tpu.memref_slice %arg5[%multiple_of3A, %dma_start3A] : memref<2560x125xi32, #tpu.memory_space<hbm>> -> memref<32x125xi32, #tpu.memory_space<hbm>>
          %dma_start3A_42 = arith.constant 0 : i32
          %dma_start3A_43 = tpu.memref_slice %arg5[%multiple_of3A, %dma_start3A_42] : memref<2560x125xi32, #tpu.memory_space<hbm>> -> memref<32x125xi32, #tpu.memory_space<hbm>>
          tpu.enqueue_dma source(%dma_start3A_43 : memref<32x125xi32, #tpu.memory_space<hbm>>) target(%arg9 : memref<32x125xi32, #tpu.memory_space<vmem>>) target_semaphore(%run_scoped3A : memref<!tpu.dma_semaphore, #tpu.memory_space<semaphore_mem>>)
          %dma_wait3A = arith.constant 0 : i32
          %dma_wait3A_44 = tpu.memref_slice %arg5[%multiple_of3A, %dma_wait3A] : memref<2560x125xi32, #tpu.memory_space<hbm>> -> memref<32x125xi32, #tpu.memory_space<hbm>>
          %dma_wait3A_45 = arith.constant 0 : i32
          %dma_wait3A_46 = tpu.memref_slice %arg5[%multiple_of3A, %dma_wait3A_45] : memref<2560x125xi32, #tpu.memory_space<hbm>> -> memref<32x125xi32, #tpu.memory_space<hbm>>
          tpu.wait_dma2 semaphore(%run_scoped3A : memref<!tpu.dma_semaphore, #tpu.memory_space<semaphore_mem>>) src(%dma_wait3A_46 : memref<32x125xi32, #tpu.memory_space<hbm>>) dst(%arg9 : memref<32x125xi32, #tpu.memory_space<vmem>>)
          tpu.yield
        }) : () -> ()
        %scan3A_36 = arith.constant 0 : i32
        %scan3A_37 = arith.constant 32 : i32
        %scan3A_38 = arith.addi %scan3A_36, %scan3A_37 : i32
        %scan3A_39 = arith.constant 1 : i32
        scf.for %scan3A_41 = %scan3A_36 to %scan3A_38 step %scan3A_39  : i32 {
          %dma_start3A = arith.constant 0 : i32
          %dma_start3A_42 = tpu.memref_slice %arg8[%scan3A_41, %dma_start3A] : memref<32x125xi32, #tpu.memory_space<vmem>> -> memref<1x125xi32, #tpu.memory_space<vmem>>
          %dma_start3A_43 = tpu.memref_squeeze %dma_start3A_42 : memref<1x125xi32, #tpu.memory_space<vmem>> -> memref<125xi32, #tpu.memory_space<vmem>>
          %dma_start3A_44 = arith.constant 0 : i32
          %dma_start3A_45 = arith.constant 0 : i32
          %dma_start3A_46 = tpu.memref_slice %arg2[%dma_start3A_44, %dma_start3A_45] : memref<10000x128xf32, #tpu.memory_space<hbm>> -> memref<10000x128xf32, #tpu.memory_space<hbm>>
          tpu.enqueue_indirect_dma source(%dma_start3A_46 : memref<10000x128xf32, #tpu.memory_space<hbm>>) target(%arg10 : memref<125x128xf32, #tpu.memory_space<vmem>>) offsets(%dma_start3A_43 : memref<125xi32, #tpu.memory_space<vmem>>) semaphore(%arg12 : memref<!tpu.dma_semaphore, #tpu.memory_space<semaphore_mem>>)
          %dma_wait3A = arith.constant 0 : i32
          %dma_wait3A_47 = tpu.memref_slice %arg8[%scan3A_41, %dma_wait3A] : memref<32x125xi32, #tpu.memory_space<vmem>> -> memref<1x125xi32, #tpu.memory_space<vmem>>
          %dma_wait3A_48 = tpu.memref_squeeze %dma_wait3A_47 : memref<1x125xi32, #tpu.memory_space<vmem>> -> memref<125xi32, #tpu.memory_space<vmem>>
          %dma_wait3A_49 = arith.constant 0 : i32
          %dma_wait3A_50 = arith.constant 0 : i32
          %dma_wait3A_51 = tpu.memref_slice %arg2[%dma_wait3A_49, %dma_wait3A_50] : memref<10000x128xf32, #tpu.memory_space<hbm>> -> memref<10000x128xf32, #tpu.memory_space<hbm>>
          tpu.wait_indirect_dma semaphore(%arg12 : memref<!tpu.dma_semaphore, #tpu.memory_space<semaphore_mem>>) src(%dma_wait3A_51 : memref<10000x128xf32, #tpu.memory_space<hbm>>) dst(%arg10 : memref<125x128xf32, #tpu.memory_space<vmem>>)
          "tpu.region"() ({
            %run_scoped3A = tpu.sem_alloc : memref<!tpu.dma_semaphore, #tpu.memory_space<semaphore_mem>>
            %dma_start3A_52 = arith.constant 0 : i32
            %dma_start3A_53 = tpu.memref_slice %arg9[%scan3A_41, %dma_start3A_52] : memref<32x125xi32, #tpu.memory_space<vmem>> -> memref<1x125xi32, #tpu.memory_space<vmem>>
            %dma_start3A_54 = tpu.memref_squeeze %dma_start3A_53 : memref<1x125xi32, #tpu.memory_space<vmem>> -> memref<125xi32, #tpu.memory_space<vmem>>
            %dma_start3A_55 = arith.constant 0 : i32
            %dma_start3A_56 = arith.constant 0 : i32
            %dma_start3A_57 = tpu.memref_slice %arg11[%dma_start3A_55, %dma_start3A_56] : memref<10000x128xf32, #tpu.memory_space<vmem_shared>> -> memref<10000x128xf32, #tpu.memory_space<vmem_shared>>
            tpu.enqueue_indirect_dma source(%arg10 : memref<125x128xf32, #tpu.memory_space<vmem>>) target(%dma_start3A_57 : memref<10000x128xf32, #tpu.memory_space<vmem_shared>>) offsets(%dma_start3A_54 : memref<125xi32, #tpu.memory_space<vmem>>) semaphore(%run_scoped3A : memref<!tpu.dma_semaphore, #tpu.memory_space<semaphore_mem>>) {add = true}
            %dma_wait3A_58 = arith.constant 0 : i32
            %dma_wait3A_59 = tpu.memref_slice %arg9[%scan3A_41, %dma_wait3A_58] : memref<32x125xi32, #tpu.memory_space<vmem>> -> memref<1x125xi32, #tpu.memory_space<vmem>>
            %dma_wait3A_60 = tpu.memref_squeeze %dma_wait3A_59 : memref<1x125xi32, #tpu.memory_space<vmem>> -> memref<125xi32, #tpu.memory_space<vmem>>
            %dma_wait3A_61 = arith.constant 0 : i32
            %dma_wait3A_62 = arith.constant 0 : i32
            %dma_wait3A_63 = tpu.memref_slice %arg11[%dma_wait3A_61, %dma_wait3A_62] : memref<10000x128xf32, #tpu.memory_space<vmem_shared>> -> memref<10000x128xf32, #tpu.memory_space<vmem_shared>>
            tpu.wait_indirect_dma semaphore(%run_scoped3A : memref<!tpu.dma_semaphore, #tpu.memory_space<semaphore_mem>>) src(%arg10 : memref<125x128xf32, #tpu.memory_space<vmem>>) dst(%dma_wait3A_63 : memref<10000x128xf32, #tpu.memory_space<vmem_shared>>)
            tpu.yield
          }) : () -> ()
        }
        %scan3A_40 = arith.constant 32 : i32
      }
      %scan3A_20 = arith.constant 5 : i32
      %barrier3A_21 = arith.constant 0 : index
      tpu.barrier barrier_id(%barrier3A_21)
      %lt3A_22 = arith.constant 15 : i32
      %lt3A_23 = arith.cmpi slt, %arg1, %lt3A_22 : i32
      %convert_element_type3A_24 = arith.extui %lt3A_23 : i1 to i32
      %cond3A_25 = arith.constant 0 : i32
      %cond3A_26 = arith.cmpi ne, %convert_element_type3A_24, %cond3A_25 : i32
      scf.if %cond3A_26 {
        %mul3A = arith.constant 624 : i32
        %mul3A_32 = arith.muli %arg1, %mul3A : i32
        %multiple_of3A = tpu.assume_multiple %mul3A_32, 8 : i32
        "tpu.region"() ({
          %run_scoped3A = tpu.sem_alloc : memref<!tpu.dma_semaphore, #tpu.memory_space<semaphore_mem>>
          %dma_start3A = arith.constant 0 : i32
          %dma_start3A_33 = tpu.memref_slice %arg6[%multiple_of3A, %dma_start3A] : memref<10000x128xf32, #tpu.memory_space<hbm>> -> memref<624x128xf32, #tpu.memory_space<hbm>>
          %dma_start3A_34 = arith.constant 0 : i32
          %dma_start3A_35 = tpu.memref_slice %arg11[%multiple_of3A, %dma_start3A_34] : memref<10000x128xf32, #tpu.memory_space<vmem_shared>> -> memref<624x128xf32, #tpu.memory_space<vmem_shared>>
          tpu.enqueue_dma source(%dma_start3A_35 : memref<624x128xf32, #tpu.memory_space<vmem_shared>>) target(%dma_start3A_33 : memref<624x128xf32, #tpu.memory_space<hbm>>) target_semaphore(%run_scoped3A : memref<!tpu.dma_semaphore, #tpu.memory_space<semaphore_mem>>)
          %dma_wait3A = arith.constant 0 : i32
          %dma_wait3A_36 = tpu.memref_slice %arg6[%multiple_of3A, %dma_wait3A] : memref<10000x128xf32, #tpu.memory_space<hbm>> -> memref<624x128xf32, #tpu.memory_space<hbm>>
          %dma_wait3A_37 = arith.constant 0 : i32
          %dma_wait3A_38 = tpu.memref_slice %arg11[%multiple_of3A, %dma_wait3A_37] : memref<10000x128xf32, #tpu.memory_space<vmem_shared>> -> memref<624x128xf32, #tpu.memory_space<vmem_shared>>
          tpu.wait_dma2 semaphore(%run_scoped3A : memref<!tpu.dma_semaphore, #tpu.memory_space<semaphore_mem>>) src(%dma_wait3A_38 : memref<624x128xf32, #tpu.memory_space<vmem_shared>>) dst(%dma_wait3A_36 : memref<624x128xf32, #tpu.memory_space<hbm>>)
          tpu.yield
        }) : () -> ()
      } else {
      }
      %eq3A_27 = arith.constant 15 : i32
      %eq3A_28 = arith.cmpi eq, %arg1, %eq3A_27 : i32
      %convert_element_type3A_29 = arith.extui %eq3A_28 : i1 to i32
      %cond3A_30 = arith.constant 0 : i32
      %cond3A_31 = arith.cmpi ne, %convert_element_type3A_29, %cond3A_30 : i32
      scf.if %cond3A_31 {
        "tpu.region"() ({
          %run_scoped3A = tpu.sem_alloc : memref<!tpu.dma_semaphore, #tpu.memory_space<semaphore_mem>>
          %dma_start3A = arith.constant 9360 : i32
          %dma_start3A_32 = arith.constant 0 : i32
          %dma_start3A_33 = tpu.memref_slice %arg6[%dma_start3A, %dma_start3A_32] : memref<10000x128xf32, #tpu.memory_space<hbm>> -> memref<640x128xf32, #tpu.memory_space<hbm>>
          %dma_start3A_34 = arith.constant 9360 : i32
          %dma_start3A_35 = arith.constant 0 : i32
          %dma_start3A_36 = tpu.memref_slice %arg11[%dma_start3A_34, %dma_start3A_35] : memref<10000x128xf32, #tpu.memory_space<vmem_shared>> -> memref<640x128xf32, #tpu.memory_space<vmem_shared>>
          tpu.enqueue_dma source(%dma_start3A_36 : memref<640x128xf32, #tpu.memory_space<vmem_shared>>) target(%dma_start3A_33 : memref<640x128xf32, #tpu.memory_space<hbm>>) target_semaphore(%run_scoped3A : memref<!tpu.dma_semaphore, #tpu.memory_space<semaphore_mem>>)
          %dma_wait3A = arith.constant 9360 : i32
          %dma_wait3A_37 = arith.constant 0 : i32
          %dma_wait3A_38 = tpu.memref_slice %arg6[%dma_wait3A, %dma_wait3A_37] : memref<10000x128xf32, #tpu.memory_space<hbm>> -> memref<640x128xf32, #tpu.memory_space<hbm>>
          %dma_wait3A_39 = arith.constant 9360 : i32
          %dma_wait3A_40 = arith.constant 0 : i32
          %dma_wait3A_41 = tpu.memref_slice %arg11[%dma_wait3A_39, %dma_wait3A_40] : memref<10000x128xf32, #tpu.memory_space<vmem_shared>> -> memref<640x128xf32, #tpu.memory_space<vmem_shared>>
          tpu.wait_dma2 semaphore(%run_scoped3A : memref<!tpu.dma_semaphore, #tpu.memory_space<semaphore_mem>>) src(%dma_wait3A_41 : memref<640x128xf32, #tpu.memory_space<vmem_shared>>) dst(%dma_wait3A_38 : memref<640x128xf32, #tpu.memory_space<hbm>>)
          tpu.yield
        }) : () -> ()
      } else {
      }
    } else {
    }
    %eq3A_2 = arith.constant 1 : i32
    %eq3A_3 = arith.cmpi eq, %arg0, %eq3A_2 : i32
    %convert_element_type3A_4 = arith.extui %eq3A_3 : i1 to i32
    %cond3A_5 = arith.constant 0 : i32
    %cond3A_6 = arith.cmpi ne, %convert_element_type3A_4, %cond3A_5 : i32
    scf.if %cond3A_6 {
      %lt3A = arith.constant 15 : i32
      %lt3A_7 = arith.cmpi slt, %arg1, %lt3A : i32
      %convert_element_type3A_8 = arith.extui %lt3A_7 : i1 to i32
      %cond3A_9 = arith.constant 0 : i32
      %cond3A_10 = arith.cmpi ne, %convert_element_type3A_8, %cond3A_9 : i32
      scf.if %cond3A_10 {
        %mul3A = arith.constant 624 : i32
        %mul3A_32 = arith.muli %arg1, %mul3A : i32
        %multiple_of3A = tpu.assume_multiple %mul3A_32, 8 : i32
        "tpu.region"() ({
          %run_scoped3A = tpu.sem_alloc : memref<!tpu.dma_semaphore, #tpu.memory_space<semaphore_mem>>
          %dma_start3A = arith.constant 0 : i32
          %dma_start3A_33 = tpu.memref_slice %arg11[%multiple_of3A, %dma_start3A] : memref<10000x128xf32, #tpu.memory_space<vmem_shared>> -> memref<624x128xf32, #tpu.memory_space<vmem_shared>>
          %dma_start3A_34 = arith.constant 0 : i32
          %dma_start3A_35 = tpu.memref_slice %arg3[%multiple_of3A, %dma_start3A_34] : memref<10000x128xf32, #tpu.memory_space<hbm>> -> memref<624x128xf32, #tpu.memory_space<hbm>>
          tpu.enqueue_dma source(%dma_start3A_35 : memref<624x128xf32, #tpu.memory_space<hbm>>) target(%dma_start3A_33 : memref<624x128xf32, #tpu.memory_space<vmem_shared>>) target_semaphore(%run_scoped3A : memref<!tpu.dma_semaphore, #tpu.memory_space<semaphore_mem>>)
          %dma_wait3A = arith.constant 0 : i32
          %dma_wait3A_36 = tpu.memref_slice %arg11[%multiple_of3A, %dma_wait3A] : memref<10000x128xf32, #tpu.memory_space<vmem_shared>> -> memref<624x128xf32, #tpu.memory_space<vmem_shared>>
          %dma_wait3A_37 = arith.constant 0 : i32
          %dma_wait3A_38 = tpu.memref_slice %arg3[%multiple_of3A, %dma_wait3A_37] : memref<10000x128xf32, #tpu.memory_space<hbm>> -> memref<624x128xf32, #tpu.memory_space<hbm>>
          tpu.wait_dma2 semaphore(%run_scoped3A : memref<!tpu.dma_semaphore, #tpu.memory_space<semaphore_mem>>) src(%dma_wait3A_38 : memref<624x128xf32, #tpu.memory_space<hbm>>) dst(%dma_wait3A_36 : memref<624x128xf32, #tpu.memory_space<vmem_shared>>)
          tpu.yield
        }) : () -> ()
      } else {
      }
      %eq3A_11 = arith.constant 15 : i32
      %eq3A_12 = arith.cmpi eq, %arg1, %eq3A_11 : i32
      %convert_element_type3A_13 = arith.extui %eq3A_12 : i1 to i32
      %cond3A_14 = arith.constant 0 : i32
      %cond3A_15 = arith.cmpi ne, %convert_element_type3A_13, %cond3A_14 : i32
      scf.if %cond3A_15 {
        "tpu.region"() ({
          %run_scoped3A = tpu.sem_alloc : memref<!tpu.dma_semaphore, #tpu.memory_space<semaphore_mem>>
          %dma_start3A = arith.constant 9360 : i32
          %dma_start3A_32 = arith.constant 0 : i32
          %dma_start3A_33 = tpu.memref_slice %arg11[%dma_start3A, %dma_start3A_32] : memref<10000x128xf32, #tpu.memory_space<vmem_shared>> -> memref<640x128xf32, #tpu.memory_space<vmem_shared>>
          %dma_start3A_34 = arith.constant 9360 : i32
          %dma_start3A_35 = arith.constant 0 : i32
          %dma_start3A_36 = tpu.memref_slice %arg3[%dma_start3A_34, %dma_start3A_35] : memref<10000x128xf32, #tpu.memory_space<hbm>> -> memref<640x128xf32, #tpu.memory_space<hbm>>
          tpu.enqueue_dma source(%dma_start3A_36 : memref<640x128xf32, #tpu.memory_space<hbm>>) target(%dma_start3A_33 : memref<640x128xf32, #tpu.memory_space<vmem_shared>>) target_semaphore(%run_scoped3A : memref<!tpu.dma_semaphore, #tpu.memory_space<semaphore_mem>>)
          %dma_wait3A = arith.constant 9360 : i32
          %dma_wait3A_37 = arith.constant 0 : i32
          %dma_wait3A_38 = tpu.memref_slice %arg11[%dma_wait3A, %dma_wait3A_37] : memref<10000x128xf32, #tpu.memory_space<vmem_shared>> -> memref<640x128xf32, #tpu.memory_space<vmem_shared>>
          %dma_wait3A_39 = arith.constant 9360 : i32
          %dma_wait3A_40 = arith.constant 0 : i32
          %dma_wait3A_41 = tpu.memref_slice %arg3[%dma_wait3A_39, %dma_wait3A_40] : memref<10000x128xf32, #tpu.memory_space<hbm>> -> memref<640x128xf32, #tpu.memory_space<hbm>>
          tpu.wait_dma2 semaphore(%run_scoped3A : memref<!tpu.dma_semaphore, #tpu.memory_space<semaphore_mem>>) src(%dma_wait3A_41 : memref<640x128xf32, #tpu.memory_space<hbm>>) dst(%dma_wait3A_38 : memref<640x128xf32, #tpu.memory_space<vmem_shared>>)
          tpu.yield
        }) : () -> ()
      } else {
      }
      %barrier3A = arith.constant 0 : index
      tpu.barrier barrier_id(%barrier3A)
      %scan3A = arith.constant 0 : i32
      %scan3A_16 = arith.constant 0 : i32
      %scan3A_17 = arith.constant 5 : i32
      %scan3A_18 = arith.addi %scan3A_16, %scan3A_17 : i32
      %scan3A_19 = arith.constant 1 : i32
      scf.for %scan3A_32 = %scan3A_16 to %scan3A_18 step %scan3A_19  : i32 {
        %mul3A = arith.constant 160 : i32
        %mul3A_33 = arith.muli %arg1, %mul3A : i32
        %mul3A_34 = arith.constant 32 : i32
        %mul3A_35 = arith.muli %scan3A_32, %mul3A_34 : i32
        %add3A = arith.addi %mul3A_33, %mul3A_35 : i32
        %multiple_of3A = tpu.assume_multiple %add3A, 8 : i32
        "tpu.region"() ({
          %run_scoped3A = tpu.sem_alloc : memref<!tpu.dma_semaphore, #tpu.memory_space<semaphore_mem>>
          %dma_start3A = arith.constant 0 : i32
          %dma_start3A_41 = tpu.memref_slice %arg4[%multiple_of3A, %dma_start3A] : memref<2560x125xi32, #tpu.memory_space<hbm>> -> memref<32x125xi32, #tpu.memory_space<hbm>>
          %dma_start3A_42 = arith.constant 0 : i32
          %dma_start3A_43 = tpu.memref_slice %arg4[%multiple_of3A, %dma_start3A_42] : memref<2560x125xi32, #tpu.memory_space<hbm>> -> memref<32x125xi32, #tpu.memory_space<hbm>>
          tpu.enqueue_dma source(%dma_start3A_43 : memref<32x125xi32, #tpu.memory_space<hbm>>) target(%arg8 : memref<32x125xi32, #tpu.memory_space<vmem>>) target_semaphore(%run_scoped3A : memref<!tpu.dma_semaphore, #tpu.memory_space<semaphore_mem>>)
          %dma_wait3A = arith.constant 0 : i32
          %dma_wait3A_44 = tpu.memref_slice %arg4[%multiple_of3A, %dma_wait3A] : memref<2560x125xi32, #tpu.memory_space<hbm>> -> memref<32x125xi32, #tpu.memory_space<hbm>>
          %dma_wait3A_45 = arith.constant 0 : i32
          %dma_wait3A_46 = tpu.memref_slice %arg4[%multiple_of3A, %dma_wait3A_45] : memref<2560x125xi32, #tpu.memory_space<hbm>> -> memref<32x125xi32, #tpu.memory_space<hbm>>
          tpu.wait_dma2 semaphore(%run_scoped3A : memref<!tpu.dma_semaphore, #tpu.memory_space<semaphore_mem>>) src(%dma_wait3A_46 : memref<32x125xi32, #tpu.memory_space<hbm>>) dst(%arg8 : memref<32x125xi32, #tpu.memory_space<vmem>>)
          tpu.yield
        }) : () -> ()
        "tpu.region"() ({
          %run_scoped3A = tpu.sem_alloc : memref<!tpu.dma_semaphore, #tpu.memory_space<semaphore_mem>>
          %dma_start3A = arith.constant 0 : i32
          %dma_start3A_41 = tpu.memref_slice %arg5[%multiple_of3A, %dma_start3A] : memref<2560x125xi32, #tpu.memory_space<hbm>> -> memref<32x125xi32, #tpu.memory_space<hbm>>
          %dma_start3A_42 = arith.constant 0 : i32
          %dma_start3A_43 = tpu.memref_slice %arg5[%multiple_of3A, %dma_start3A_42] : memref<2560x125xi32, #tpu.memory_space<hbm>> -> memref<32x125xi32, #tpu.memory_space<hbm>>
          tpu.enqueue_dma source(%dma_start3A_43 : memref<32x125xi32, #tpu.memory_space<hbm>>) target(%arg9 : memref<32x125xi32, #tpu.memory_space<vmem>>) target_semaphore(%run_scoped3A : memref<!tpu.dma_semaphore, #tpu.memory_space<semaphore_mem>>)
          %dma_wait3A = arith.constant 0 : i32
          %dma_wait3A_44 = tpu.memref_slice %arg5[%multiple_of3A, %dma_wait3A] : memref<2560x125xi32, #tpu.memory_space<hbm>> -> memref<32x125xi32, #tpu.memory_space<hbm>>
          %dma_wait3A_45 = arith.constant 0 : i32
          %dma_wait3A_46 = tpu.memref_slice %arg5[%multiple_of3A, %dma_wait3A_45] : memref<2560x125xi32, #tpu.memory_space<hbm>> -> memref<32x125xi32, #tpu.memory_space<hbm>>
          tpu.wait_dma2 semaphore(%run_scoped3A : memref<!tpu.dma_semaphore, #tpu.memory_space<semaphore_mem>>) src(%dma_wait3A_46 : memref<32x125xi32, #tpu.memory_space<hbm>>) dst(%arg9 : memref<32x125xi32, #tpu.memory_space<vmem>>)
          tpu.yield
        }) : () -> ()
        %scan3A_36 = arith.constant 0 : i32
        %scan3A_37 = arith.constant 32 : i32
        %scan3A_38 = arith.addi %scan3A_36, %scan3A_37 : i32
        %scan3A_39 = arith.constant 1 : i32
        scf.for %scan3A_41 = %scan3A_36 to %scan3A_38 step %scan3A_39  : i32 {
          %dma_start3A = arith.constant 0 : i32
          %dma_start3A_42 = tpu.memref_slice %arg8[%scan3A_41, %dma_start3A] : memref<32x125xi32, #tpu.memory_space<vmem>> -> memref<1x125xi32, #tpu.memory_space<vmem>>
          %dma_start3A_43 = tpu.memref_squeeze %dma_start3A_42 : memref<1x125xi32, #tpu.memory_space<vmem>> -> memref<125xi32, #tpu.memory_space<vmem>>
          %dma_start3A_44 = arith.constant 0 : i32
          %dma_start3A_45 = arith.constant 0 : i32
          %dma_start3A_46 = tpu.memref_slice %arg3[%dma_start3A_44, %dma_start3A_45] : memref<10000x128xf32, #tpu.memory_space<hbm>> -> memref<10000x128xf32, #tpu.memory_space<hbm>>
          tpu.enqueue_indirect_dma source(%dma_start3A_46 : memref<10000x128xf32, #tpu.memory_space<hbm>>) target(%arg10 : memref<125x128xf32, #tpu.memory_space<vmem>>) offsets(%dma_start3A_43 : memref<125xi32, #tpu.memory_space<vmem>>) semaphore(%arg12 : memref<!tpu.dma_semaphore, #tpu.memory_space<semaphore_mem>>)
          %dma_wait3A = arith.constant 0 : i32
          %dma_wait3A_47 = tpu.memref_slice %arg8[%scan3A_41, %dma_wait3A] : memref<32x125xi32, #tpu.memory_space<vmem>> -> memref<1x125xi32, #tpu.memory_space<vmem>>
          %dma_wait3A_48 = tpu.memref_squeeze %dma_wait3A_47 : memref<1x125xi32, #tpu.memory_space<vmem>> -> memref<125xi32, #tpu.memory_space<vmem>>
          %dma_wait3A_49 = arith.constant 0 : i32
          %dma_wait3A_50 = arith.constant 0 : i32
          %dma_wait3A_51 = tpu.memref_slice %arg3[%dma_wait3A_49, %dma_wait3A_50] : memref<10000x128xf32, #tpu.memory_space<hbm>> -> memref<10000x128xf32, #tpu.memory_space<hbm>>
          tpu.wait_indirect_dma semaphore(%arg12 : memref<!tpu.dma_semaphore, #tpu.memory_space<semaphore_mem>>) src(%dma_wait3A_51 : memref<10000x128xf32, #tpu.memory_space<hbm>>) dst(%arg10 : memref<125x128xf32, #tpu.memory_space<vmem>>)
          "tpu.region"() ({
            %run_scoped3A = tpu.sem_alloc : memref<!tpu.dma_semaphore, #tpu.memory_space<semaphore_mem>>
            %dma_start3A_52 = arith.constant 0 : i32
            %dma_start3A_53 = tpu.memref_slice %arg9[%scan3A_41, %dma_start3A_52] : memref<32x125xi32, #tpu.memory_space<vmem>> -> memref<1x125xi32, #tpu.memory_space<vmem>>
            %dma_start3A_54 = tpu.memref_squeeze %dma_start3A_53 : memref<1x125xi32, #tpu.memory_space<vmem>> -> memref<125xi32, #tpu.memory_space<vmem>>
            %dma_start3A_55 = arith.constant 0 : i32
            %dma_start3A_56 = arith.constant 0 : i32
            %dma_start3A_57 = tpu.memref_slice %arg11[%dma_start3A_55, %dma_start3A_56] : memref<10000x128xf32, #tpu.memory_space<vmem_shared>> -> memref<10000x128xf32, #tpu.memory_space<vmem_shared>>
            tpu.enqueue_indirect_dma source(%arg10 : memref<125x128xf32, #tpu.memory_space<vmem>>) target(%dma_start3A_57 : memref<10000x128xf32, #tpu.memory_space<vmem_shared>>) offsets(%dma_start3A_54 : memref<125xi32, #tpu.memory_space<vmem>>) semaphore(%run_scoped3A : memref<!tpu.dma_semaphore, #tpu.memory_space<semaphore_mem>>) {add = true}
            %dma_wait3A_58 = arith.constant 0 : i32
            %dma_wait3A_59 = tpu.memref_slice %arg9[%scan3A_41, %dma_wait3A_58] : memref<32x125xi32, #tpu.memory_space<vmem>> -> memref<1x125xi32, #tpu.memory_space<vmem>>
            %dma_wait3A_60 = tpu.memref_squeeze %dma_wait3A_59 : memref<1x125xi32, #tpu.memory_space<vmem>> -> memref<125xi32, #tpu.memory_space<vmem>>
            %dma_wait3A_61 = arith.constant 0 : i32
            %dma_wait3A_62 = arith.constant 0 : i32
            %dma_wait3A_63 = tpu.memref_slice %arg11[%dma_wait3A_61, %dma_wait3A_62] : memref<10000x128xf32, #tpu.memory_space<vmem_shared>> -> memref<10000x128xf32, #tpu.memory_space<vmem_shared>>
            tpu.wait_indirect_dma semaphore(%run_scoped3A : memref<!tpu.dma_semaphore, #tpu.memory_space<semaphore_mem>>) src(%arg10 : memref<125x128xf32, #tpu.memory_space<vmem>>) dst(%dma_wait3A_63 : memref<10000x128xf32, #tpu.memory_space<vmem_shared>>)
            tpu.yield
          }) : () -> ()
        }
        %scan3A_40 = arith.constant 32 : i32
      }
      %scan3A_20 = arith.constant 5 : i32
      %barrier3A_21 = arith.constant 0 : index
      tpu.barrier barrier_id(%barrier3A_21)
      %lt3A_22 = arith.constant 15 : i32
      %lt3A_23 = arith.cmpi slt, %arg1, %lt3A_22 : i32
      %convert_element_type3A_24 = arith.extui %lt3A_23 : i1 to i32
      %cond3A_25 = arith.constant 0 : i32
      %cond3A_26 = arith.cmpi ne, %convert_element_type3A_24, %cond3A_25 : i32
      scf.if %cond3A_26 {
        %mul3A = arith.constant 624 : i32
        %mul3A_32 = arith.muli %arg1, %mul3A : i32
        %multiple_of3A = tpu.assume_multiple %mul3A_32, 8 : i32
        "tpu.region"() ({
          %run_scoped3A = tpu.sem_alloc : memref<!tpu.dma_semaphore, #tpu.memory_space<semaphore_mem>>
          %dma_start3A = arith.constant 0 : i32
          %dma_start3A_33 = tpu.memref_slice %arg7[%multiple_of3A, %dma_start3A] : memref<10000x128xf32, #tpu.memory_space<hbm>> -> memref<624x128xf32, #tpu.memory_space<hbm>>
          %dma_start3A_34 = arith.constant 0 : i32
          %dma_start3A_35 = tpu.memref_slice %arg11[%multiple_of3A, %dma_start3A_34] : memref<10000x128xf32, #tpu.memory_space<vmem_shared>> -> memref<624x128xf32, #tpu.memory_space<vmem_shared>>
          tpu.enqueue_dma source(%dma_start3A_35 : memref<624x128xf32, #tpu.memory_space<vmem_shared>>) target(%dma_start3A_33 : memref<624x128xf32, #tpu.memory_space<hbm>>) target_semaphore(%run_scoped3A : memref<!tpu.dma_semaphore, #tpu.memory_space<semaphore_mem>>)
          %dma_wait3A = arith.constant 0 : i32
          %dma_wait3A_36 = tpu.memref_slice %arg7[%multiple_of3A, %dma_wait3A] : memref<10000x128xf32, #tpu.memory_space<hbm>> -> memref<624x128xf32, #tpu.memory_space<hbm>>
          %dma_wait3A_37 = arith.constant 0 : i32
          %dma_wait3A_38 = tpu.memref_slice %arg11[%multiple_of3A, %dma_wait3A_37] : memref<10000x128xf32, #tpu.memory_space<vmem_shared>> -> memref<624x128xf32, #tpu.memory_space<vmem_shared>>
          tpu.wait_dma2 semaphore(%run_scoped3A : memref<!tpu.dma_semaphore, #tpu.memory_space<semaphore_mem>>) src(%dma_wait3A_38 : memref<624x128xf32, #tpu.memory_space<vmem_shared>>) dst(%dma_wait3A_36 : memref<624x128xf32, #tpu.memory_space<hbm>>)
          tpu.yield
        }) : () -> ()
      } else {
      }
      %eq3A_27 = arith.constant 15 : i32
      %eq3A_28 = arith.cmpi eq, %arg1, %eq3A_27 : i32
      %convert_element_type3A_29 = arith.extui %eq3A_28 : i1 to i32
      %cond3A_30 = arith.constant 0 : i32
      %cond3A_31 = arith.cmpi ne, %convert_element_type3A_29, %cond3A_30 : i32
      scf.if %cond3A_31 {
        "tpu.region"() ({
          %run_scoped3A = tpu.sem_alloc : memref<!tpu.dma_semaphore, #tpu.memory_space<semaphore_mem>>
          %dma_start3A = arith.constant 9360 : i32
          %dma_start3A_32 = arith.constant 0 : i32
          %dma_start3A_33 = tpu.memref_slice %arg7[%dma_start3A, %dma_start3A_32] : memref<10000x128xf32, #tpu.memory_space<hbm>> -> memref<640x128xf32, #tpu.memory_space<hbm>>
          %dma_start3A_34 = arith.constant 9360 : i32
          %dma_start3A_35 = arith.constant 0 : i32
          %dma_start3A_36 = tpu.memref_slice %arg11[%dma_start3A_34, %dma_start3A_35] : memref<10000x128xf32, #tpu.memory_space<vmem_shared>> -> memref<640x128xf32, #tpu.memory_space<vmem_shared>>
          tpu.enqueue_dma source(%dma_start3A_36 : memref<640x128xf32, #tpu.memory_space<vmem_shared>>) target(%dma_start3A_33 : memref<640x128xf32, #tpu.memory_space<hbm>>) target_semaphore(%run_scoped3A : memref<!tpu.dma_semaphore, #tpu.memory_space<semaphore_mem>>)
          %dma_wait3A = arith.constant 9360 : i32
          %dma_wait3A_37 = arith.constant 0 : i32
          %dma_wait3A_38 = tpu.memref_slice %arg7[%dma_wait3A, %dma_wait3A_37] : memref<10000x128xf32, #tpu.memory_space<hbm>> -> memref<640x128xf32, #tpu.memory_space<hbm>>
          %dma_wait3A_39 = arith.constant 9360 : i32
          %dma_wait3A_40 = arith.constant 0 : i32
          %dma_wait3A_41 = tpu.memref_slice %arg11[%dma_wait3A_39, %dma_wait3A_40] : memref<10000x128xf32, #tpu.memory_space<vmem_shared>> -> memref<640x128xf32, #tpu.memory_space<vmem_shared>>
          tpu.wait_dma2 semaphore(%run_scoped3A : memref<!tpu.dma_semaphore, #tpu.memory_space<semaphore_mem>>) src(%dma_wait3A_41 : memref<640x128xf32, #tpu.memory_space<vmem_shared>>) dst(%dma_wait3A_38 : memref<640x128xf32, #tpu.memory_space<hbm>>)
          tpu.yield
        }) : () -> ()
      } else {
      }
    } else {
    }
    return
  }
}

module attributes {stable_mosaic.version = 14 : i64} {
  func.func @_tc1_body(%arg0: i32, %arg1: memref<1000x128xf32, #tpu.memory_space<vmem>>, %arg2: memref<128x256xf32, #tpu.memory_space<vmem>>, %arg3: memref<1000x128xf32, #tpu.memory_space<vmem>>, %arg4: memref<1000x128xf32, #tpu.memory_space<vmem>>, %arg5: memref<1000x128xf32, #tpu.memory_space<vmem>>, %arg6: memref<1000x128xf32, #tpu.memory_space<vmem>>) attributes {dimension_semantics = [#tpu.dimension_semantics<arbitrary>], iteration_bounds = array<i64: 10>, scalar_prefetch = 0 : i64, scratch_operands = 0 : i64, tpu.core_type = #tpu.core_type<tc>, window_params = [{transform_indices = @transform_0, window_bounds = array<i64: 1000, 128>}, {pipeline_mode = #tpu.pipeline_mode<synchronous>, transform_indices = @transform_1, window_bounds = array<i64: 128, 256>}, {transform_indices = @transform_2, window_bounds = array<i64: 1000, 128>}, {transform_indices = @transform_3, window_bounds = array<i64: 1000, 128>}, {transform_indices = @transform_4, window_bounds = array<i64: 1000, 128>}, {transform_indices = @transform_5, window_bounds = array<i64: 1000, 128>}]} {
    %get3A = arith.constant 0 : index
    %get3A_0 = arith.constant 0 : index
    %get3A_1 = vector.load %arg3[%get3A, %get3A_0] : memref<1000x128xf32, #tpu.memory_space<vmem>>, vector<1000x1xf32>
    %add3A = arith.constant 1.000000e+00 : f32
    %add3A_2 = vector.broadcast %add3A : f32 to vector<1000x1xf32>
    %add3A_3 = arith.addf %add3A_2, %get3A_1 : vector<1000x1xf32>
    %get3A_4 = arith.constant 0 : index
    %get3A_5 = arith.constant 0 : index
    %get3A_6 = vector.load %arg4[%get3A_4, %get3A_5] : memref<1000x128xf32, #tpu.memory_space<vmem>>, vector<1000x1xf32>
    %add3A_7 = arith.addf %add3A_3, %get3A_6 : vector<1000x1xf32>
    %rsqrt3A = math.rsqrt %add3A_7 : vector<1000x1xf32>
    %get3A_8 = arith.constant 0 : index
    %get3A_9 = arith.constant 0 : index
    %get3A_10 = vector.load %arg1[%get3A_8, %get3A_9] : memref<1000x128xf32, #tpu.memory_space<vmem>>, vector<1000x128xf32>
    %get3A_11 = arith.constant 0 : index
    %get3A_12 = arith.constant 0 : index
    %get3A_13 = vector.load %arg2[%get3A_11, %get3A_12] : memref<128x256xf32, #tpu.memory_space<vmem>>, vector<128x256xf32>
    %dot_general3A = arith.constant dense<0.000000e+00> : vector<1000x256xf32>
    %dot_general3A_14 = tpu.matmul %get3A_10, %get3A_13, %dot_general3A {dimension_numbers = #tpu.dot_dimension_numbers<[1], [0], [0], [1], [0, 0, 1, 1], [], []>, precision = #tpu.contract_precision<fp32>, transpose_lhs_hint = false} : vector<1000x128xf32>, vector<128x256xf32>, vector<1000x256xf32> -> vector<1000x256xf32>
    %slice3A = vector.extract_strided_slice %dot_general3A_14 {offsets = [0, 0], sizes = [1000, 128], strides = [1, 1]} : vector<1000x256xf32> to vector<1000x128xf32>
    %mul3A = vector.broadcast %rsqrt3A : vector<1000x1xf32> to vector<1000x128xf32>
    %mul3A_15 = arith.mulf %slice3A, %mul3A : vector<1000x128xf32>
    %swap3A = arith.constant 0 : index
    %swap3A_16 = arith.constant 0 : index
    %swap3A_17 = vector.load %arg5[%swap3A, %swap3A_16] : memref<1000x128xf32, #tpu.memory_space<vmem>>, vector<1000x128xf32>
    tpu.vector_store %arg5[%swap3A, %swap3A_16], %mul3A_15 {strides = array<i32>} : memref<1000x128xf32, #tpu.memory_space<vmem>>, vector<1000x128xf32>,
    %slice3A_18 = vector.extract_strided_slice %dot_general3A_14 {offsets = [0, 128], sizes = [1000, 128], strides = [1, 1]} : vector<1000x256xf32> to vector<1000x128xf32>
    %mul3A_19 = vector.broadcast %rsqrt3A : vector<1000x1xf32> to vector<1000x128xf32>
    %mul3A_20 = arith.mulf %slice3A_18, %mul3A_19 : vector<1000x128xf32>
    %swap3A_21 = arith.constant 0 : index
    %swap3A_22 = arith.constant 0 : index
    %swap3A_23 = vector.load %arg6[%swap3A_21, %swap3A_22] : memref<1000x128xf32, #tpu.memory_space<vmem>>, vector<1000x128xf32>
    tpu.vector_store %arg6[%swap3A_21, %swap3A_22], %mul3A_20 {strides = array<i32>} : memref<1000x128xf32, #tpu.memory_space<vmem>>, vector<1000x128xf32>,
    return
  }
  func.func @transform_0(%arg0: i32) -> (i32, i32) {
    %c0_i32 = arith.constant 0 : i32
    %c0_i32_0 = arith.constant 0 : i32
    return %arg0, %c0_i32 : i32, i32
  }
  func.func @transform_1(%arg0: i32) -> (i32, i32) {
    %c0_i32 = arith.constant 0 : i32
    %c0_i32_0 = arith.constant 0 : i32
    %c0_i32_1 = arith.constant 0 : i32
    return %c0_i32, %c0_i32_0 : i32, i32
  }
  func.func @transform_2(%arg0: i32) -> (i32, i32) {
    %c0_i32 = arith.constant 0 : i32
    %c0_i32_0 = arith.constant 0 : i32
    return %arg0, %c0_i32 : i32, i32
  }
  func.func @transform_3(%arg0: i32) -> (i32, i32) {
    %c0_i32 = arith.constant 0 : i32
    %c0_i32_0 = arith.constant 0 : i32
    return %arg0, %c0_i32 : i32, i32
  }
  func.func @transform_4(%arg0: i32) -> (i32, i32) {
    %c0_i32 = arith.constant 0 : i32
    %c0_i32_0 = arith.constant 0 : i32
    return %arg0, %c0_i32 : i32, i32
  }
  func.func @transform_5(%arg0: i32) -> (i32, i32) {
    %c0_i32 = arith.constant 0 : i32
    %c0_i32_0 = arith.constant 0 : i32
    return %arg0, %c0_i32 : i32, i32
  }
}

module attributes {stable_mosaic.version = 14 : i64} {
  func.func @_tc2_body(%arg0: i32, %arg1: memref<1000x128xf32, #tpu.memory_space<vmem>>, %arg2: memref<1000x128xf32, #tpu.memory_space<vmem>>, %arg3: memref<1000x128xf32, #tpu.memory_space<vmem>>, %arg4: memref<1000x128xf32, #tpu.memory_space<vmem>>, %arg5: memref<256x256xf32, #tpu.memory_space<vmem>>, %arg6: memref<1x256xf32, #tpu.memory_space<vmem>>, %arg7: memref<1000x128xf32, #tpu.memory_space<vmem>>, %arg8: memref<1000x128xf32, #tpu.memory_space<vmem>>) attributes {dimension_semantics = [#tpu.dimension_semantics<arbitrary>], iteration_bounds = array<i64: 10>, scalar_prefetch = 0 : i64, scratch_operands = 0 : i64, tpu.core_type = #tpu.core_type<tc>, window_params = [{transform_indices = @transform_0, window_bounds = array<i64: 1000, 128>}, {transform_indices = @transform_1, window_bounds = array<i64: 1000, 128>}, {transform_indices = @transform_2, window_bounds = array<i64: 1000, 128>}, {transform_indices = @transform_3, window_bounds = array<i64: 1000, 128>}, {pipeline_mode = #tpu.pipeline_mode<synchronous>, transform_indices = @transform_4, window_bounds = array<i64: 256, 256>}, {pipeline_mode = #tpu.pipeline_mode<synchronous>, transform_indices = @transform_5, window_bounds = array<i64: 1, 256>}, {transform_indices = @transform_6, window_bounds = array<i64: 1000, 128>}, {transform_indices = @transform_7, window_bounds = array<i64: 1000, 128>}]} {
    %get3A = arith.constant 0 : index
    %get3A_0 = arith.constant 0 : index
    %get3A_1 = vector.load %arg3[%get3A, %get3A_0] : memref<1000x128xf32, #tpu.memory_space<vmem>>, vector<1000x1xf32>
    %add3A = arith.constant 1.000000e+00 : f32
    %add3A_2 = vector.broadcast %add3A : f32 to vector<1000x1xf32>
    %add3A_3 = arith.addf %add3A_2, %get3A_1 : vector<1000x1xf32>
    %get3A_4 = arith.constant 0 : index
    %get3A_5 = arith.constant 0 : index
    %get3A_6 = vector.load %arg4[%get3A_4, %get3A_5] : memref<1000x128xf32, #tpu.memory_space<vmem>>, vector<1000x1xf32>
    %add3A_7 = arith.addf %add3A_3, %get3A_6 : vector<1000x1xf32>
    %rsqrt3A = math.rsqrt %add3A_7 : vector<1000x1xf32>
    %get3A_8 = arith.constant 0 : index
    %get3A_9 = arith.constant 0 : index
    %get3A_10 = vector.load %arg6[%get3A_8, %get3A_9] : memref<1x256xf32, #tpu.memory_space<vmem>>, vector<1x256xf32>
    %get3A_11 = arith.constant 0 : index
    %get3A_12 = arith.constant 0 : index
    %get3A_13 = vector.load %arg1[%get3A_11, %get3A_12] : memref<1000x128xf32, #tpu.memory_space<vmem>>, vector<1000x128xf32>
    %mul3A = vector.broadcast %rsqrt3A : vector<1000x1xf32> to vector<1000x128xf32>
    %mul3A_14 = arith.mulf %get3A_13, %mul3A : vector<1000x128xf32>
    %slice3A = vector.extract_strided_slice %get3A_10 {offsets = [0, 0], sizes = [1, 128], strides = [1, 1]} : vector<1x256xf32> to vector<1x128xf32>
    %add3A_15 = vector.broadcast %slice3A : vector<1x128xf32> to vector<1000x128xf32>
    %add3A_16 = arith.addf %mul3A_14, %add3A_15 : vector<1000x128xf32>
    %max3A = arith.constant 0.000000e+00 : f32
    %max3A_17 = vector.broadcast %max3A : f32 to vector<1000x128xf32>
    %max3A_18 = arith.maximumf %add3A_16, %max3A_17 : vector<1000x128xf32>
    %get3A_19 = arith.constant 0 : index
    %get3A_20 = arith.constant 0 : index
    %get3A_21 = vector.load %arg2[%get3A_19, %get3A_20] : memref<1000x128xf32, #tpu.memory_space<vmem>>, vector<1000x128xf32>
    %mul3A_22 = vector.broadcast %rsqrt3A : vector<1000x1xf32> to vector<1000x128xf32>
    %mul3A_23 = arith.mulf %get3A_21, %mul3A_22 : vector<1000x128xf32>
    %slice3A_24 = vector.extract_strided_slice %get3A_10 {offsets = [0, 128], sizes = [1, 128], strides = [1, 1]} : vector<1x256xf32> to vector<1x128xf32>
    %add3A_25 = vector.broadcast %slice3A_24 : vector<1x128xf32> to vector<1000x128xf32>
    %add3A_26 = arith.addf %mul3A_23, %add3A_25 : vector<1000x128xf32>
    %max3A_27 = arith.constant 0.000000e+00 : f32
    %max3A_28 = vector.broadcast %max3A_27 : f32 to vector<1000x128xf32>
    %max3A_29 = arith.maximumf %add3A_26, %max3A_28 : vector<1000x128xf32>
    %get3A_30 = arith.constant 0 : index
    %get3A_31 = arith.constant 0 : index
    %get3A_32 = vector.load %arg5[%get3A_30, %get3A_31] : memref<256x256xf32, #tpu.memory_space<vmem>>, vector<256x256xf32>
    %slice3A_33 = vector.extract_strided_slice %get3A_32 {offsets = [0, 0], sizes = [128, 256], strides = [1, 1]} : vector<256x256xf32> to vector<128x256xf32>
    %dot_general3A = arith.constant dense<0.000000e+00> : vector<1000x256xf32>
    %dot_general3A_34 = tpu.matmul %max3A_18, %slice3A_33, %dot_general3A {dimension_numbers = #tpu.dot_dimension_numbers<[1], [0], [0], [1], [0, 0, 1, 1], [], []>, precision = #tpu.contract_precision<fp32>, transpose_lhs_hint = false} : vector<1000x128xf32>, vector<128x256xf32>, vector<1000x256xf32> -> vector<1000x256xf32>
    %slice3A_35 = vector.extract_strided_slice %get3A_32 {offsets = [128, 0], sizes = [128, 256], strides = [1, 1]} : vector<256x256xf32> to vector<128x256xf32>
    %dot_general3A_36 = arith.constant dense<0.000000e+00> : vector<1000x256xf32>
    %dot_general3A_37 = tpu.matmul %max3A_29, %slice3A_35, %dot_general3A_36 {dimension_numbers = #tpu.dot_dimension_numbers<[1], [0], [0], [1], [0, 0, 1, 1], [], []>, precision = #tpu.contract_precision<fp32>, transpose_lhs_hint = false} : vector<1000x128xf32>, vector<128x256xf32>, vector<1000x256xf32> -> vector<1000x256xf32>
    %add3A_38 = arith.addf %dot_general3A_34, %dot_general3A_37 : vector<1000x256xf32>
    %slice3A_39 = vector.extract_strided_slice %add3A_38 {offsets = [0, 0], sizes = [1000, 128], strides = [1, 1]} : vector<1000x256xf32> to vector<1000x128xf32>
    %mul3A_40 = vector.broadcast %rsqrt3A : vector<1000x1xf32> to vector<1000x128xf32>
    %mul3A_41 = arith.mulf %slice3A_39, %mul3A_40 : vector<1000x128xf32>
    %swap3A = arith.constant 0 : index
    %swap3A_42 = arith.constant 0 : index
    %swap3A_43 = vector.load %arg7[%swap3A, %swap3A_42] : memref<1000x128xf32, #tpu.memory_space<vmem>>, vector<1000x128xf32>
    tpu.vector_store %arg7[%swap3A, %swap3A_42], %mul3A_41 {strides = array<i32>} : memref<1000x128xf32, #tpu.memory_space<vmem>>, vector<1000x128xf32>,
    %slice3A_44 = vector.extract_strided_slice %add3A_38 {offsets = [0, 128], sizes = [1000, 128], strides = [1, 1]} : vector<1000x256xf32> to vector<1000x128xf32>
    %mul3A_45 = vector.broadcast %rsqrt3A : vector<1000x1xf32> to vector<1000x128xf32>
    %mul3A_46 = arith.mulf %slice3A_44, %mul3A_45 : vector<1000x128xf32>
    %swap3A_47 = arith.constant 0 : index
    %swap3A_48 = arith.constant 0 : index
    %swap3A_49 = vector.load %arg8[%swap3A_47, %swap3A_48] : memref<1000x128xf32, #tpu.memory_space<vmem>>, vector<1000x128xf32>
    tpu.vector_store %arg8[%swap3A_47, %swap3A_48], %mul3A_46 {strides = array<i32>} : memref<1000x128xf32, #tpu.memory_space<vmem>>, vector<1000x128xf32>,
    return
  }
  func.func @transform_0(%arg0: i32) -> (i32, i32) {
    %c0_i32 = arith.constant 0 : i32
    %c0_i32_0 = arith.constant 0 : i32
    return %arg0, %c0_i32 : i32, i32
  }
  func.func @transform_1(%arg0: i32) -> (i32, i32) {
    %c0_i32 = arith.constant 0 : i32
    %c0_i32_0 = arith.constant 0 : i32
    return %arg0, %c0_i32 : i32, i32
  }
  func.func @transform_2(%arg0: i32) -> (i32, i32) {
    %c0_i32 = arith.constant 0 : i32
    %c0_i32_0 = arith.constant 0 : i32
    return %arg0, %c0_i32 : i32, i32
  }
  func.func @transform_3(%arg0: i32) -> (i32, i32) {
    %c0_i32 = arith.constant 0 : i32
    %c0_i32_0 = arith.constant 0 : i32
    return %arg0, %c0_i32 : i32, i32
  }
  func.func @transform_4(%arg0: i32) -> (i32, i32) {
    %c0_i32 = arith.constant 0 : i32
    %c0_i32_0 = arith.constant 0 : i32
    %c0_i32_1 = arith.constant 0 : i32
    return %c0_i32, %c0_i32_0 : i32, i32
  }
  func.func @transform_5(%arg0: i32) -> (i32, i32) {
    %c0_i32 = arith.constant 0 : i32
    %c0_i32_0 = arith.constant 0 : i32
    %c0_i32_1 = arith.constant 0 : i32
    return %c0_i32, %c0_i32_0 : i32, i32
  }
  func.func @transform_6(%arg0: i32) -> (i32, i32) {
    %c0_i32 = arith.constant 0 : i32
    %c0_i32_0 = arith.constant 0 : i32
    return %arg0, %c0_i32 : i32, i32
  }
  func.func @transform_7(%arg0: i32) -> (i32, i32) {
    %c0_i32 = arith.constant 0 : i32
    %c0_i32_0 = arith.constant 0 : i32
    return %arg0, %c0_i32 : i32, i32
  }
}

module attributes {stable_mosaic.version = 14 : i64} {
  func.func @_tc3_body(%arg0: i32, %arg1: memref<1000x128xf32, #tpu.memory_space<vmem>>, %arg2: memref<1000x128xf32, #tpu.memory_space<vmem>>, %arg3: memref<1000x128xf32, #tpu.memory_space<vmem>>, %arg4: memref<1000x128xf32, #tpu.memory_space<vmem>>, %arg5: memref<1x256xf32, #tpu.memory_space<vmem>>, %arg6: memref<1000x256xf32, #tpu.memory_space<vmem>>) attributes {dimension_semantics = [#tpu.dimension_semantics<arbitrary>], iteration_bounds = array<i64: 10>, scalar_prefetch = 0 : i64, scratch_operands = 0 : i64, tpu.core_type = #tpu.core_type<tc>, window_params = [{transform_indices = @transform_0, window_bounds = array<i64: 1000, 128>}, {transform_indices = @transform_1, window_bounds = array<i64: 1000, 128>}, {transform_indices = @transform_2, window_bounds = array<i64: 1000, 128>}, {transform_indices = @transform_3, window_bounds = array<i64: 1000, 128>}, {pipeline_mode = #tpu.pipeline_mode<synchronous>, transform_indices = @transform_4, window_bounds = array<i64: 1, 256>}, {transform_indices = @transform_5, window_bounds = array<i64: 1000, 256>}]} {
    %get3A = arith.constant 0 : index
    %get3A_0 = arith.constant 0 : index
    %get3A_1 = vector.load %arg3[%get3A, %get3A_0] : memref<1000x128xf32, #tpu.memory_space<vmem>>, vector<1000x1xf32>
    %add3A = arith.constant 1.000000e+00 : f32
    %add3A_2 = vector.broadcast %add3A : f32 to vector<1000x1xf32>
    %add3A_3 = arith.addf %add3A_2, %get3A_1 : vector<1000x1xf32>
    %get3A_4 = arith.constant 0 : index
    %get3A_5 = arith.constant 0 : index
    %get3A_6 = vector.load %arg4[%get3A_4, %get3A_5] : memref<1000x128xf32, #tpu.memory_space<vmem>>, vector<1000x1xf32>
    %add3A_7 = arith.addf %add3A_3, %get3A_6 : vector<1000x1xf32>
    %rsqrt3A = math.rsqrt %add3A_7 : vector<1000x1xf32>
    %get3A_8 = arith.constant 0 : index
    %get3A_9 = arith.constant 0 : index
    %get3A_10 = vector.load %arg5[%get3A_8, %get3A_9] : memref<1x256xf32, #tpu.memory_space<vmem>>, vector<1x256xf32>
    %get3A_11 = arith.constant 0 : index
    %get3A_12 = arith.constant 0 : index
    %get3A_13 = vector.load %arg1[%get3A_11, %get3A_12] : memref<1000x128xf32, #tpu.memory_space<vmem>>, vector<1000x128xf32>
    %mul3A = vector.broadcast %rsqrt3A : vector<1000x1xf32> to vector<1000x128xf32>
    %mul3A_14 = arith.mulf %get3A_13, %mul3A : vector<1000x128xf32>
    %slice3A = vector.extract_strided_slice %get3A_10 {offsets = [0, 0], sizes = [1, 128], strides = [1, 1]} : vector<1x256xf32> to vector<1x128xf32>
    %add3A_15 = vector.broadcast %slice3A : vector<1x128xf32> to vector<1000x128xf32>
    %add3A_16 = arith.addf %mul3A_14, %add3A_15 : vector<1000x128xf32>
    %max3A = arith.constant 0.000000e+00 : f32
    %max3A_17 = vector.broadcast %max3A : f32 to vector<1000x128xf32>
    %max3A_18 = arith.maximumf %add3A_16, %max3A_17 : vector<1000x128xf32>
    %get3A_19 = arith.constant 0 : index
    %get3A_20 = arith.constant 0 : index
    %get3A_21 = vector.load %arg2[%get3A_19, %get3A_20] : memref<1000x128xf32, #tpu.memory_space<vmem>>, vector<1000x128xf32>
    %mul3A_22 = vector.broadcast %rsqrt3A : vector<1000x1xf32> to vector<1000x128xf32>
    %mul3A_23 = arith.mulf %get3A_21, %mul3A_22 : vector<1000x128xf32>
    %slice3A_24 = vector.extract_strided_slice %get3A_10 {offsets = [0, 128], sizes = [1, 128], strides = [1, 1]} : vector<1x256xf32> to vector<1x128xf32>
    %add3A_25 = vector.broadcast %slice3A_24 : vector<1x128xf32> to vector<1000x128xf32>
    %add3A_26 = arith.addf %mul3A_23, %add3A_25 : vector<1000x128xf32>
    %max3A_27 = arith.constant 0.000000e+00 : f32
    %max3A_28 = vector.broadcast %max3A_27 : f32 to vector<1000x128xf32>
    %max3A_29 = arith.maximumf %add3A_26, %max3A_28 : vector<1000x128xf32>
    %concatenate3A = tpu.concatenate %max3A_18, %max3A_29 in 1 : vector<1000x128xf32>, vector<1000x128xf32> -> vector<1000x256xf32>
    %swap3A = arith.constant 0 : index
    %swap3A_30 = arith.constant 0 : index
    %swap3A_31 = vector.load %arg6[%swap3A, %swap3A_30] : memref<1000x256xf32, #tpu.memory_space<vmem>>, vector<1000x256xf32>
    tpu.vector_store %arg6[%swap3A, %swap3A_30], %concatenate3A {strides = array<i32>} : memref<1000x256xf32, #tpu.memory_space<vmem>>, vector<1000x256xf32>,
    return
  }
  func.func @transform_0(%arg0: i32) -> (i32, i32) {
    %c0_i32 = arith.constant 0 : i32
    %c0_i32_0 = arith.constant 0 : i32
    return %arg0, %c0_i32 : i32, i32
  }
  func.func @transform_1(%arg0: i32) -> (i32, i32) {
    %c0_i32 = arith.constant 0 : i32
    %c0_i32_0 = arith.constant 0 : i32
    return %arg0, %c0_i32 : i32, i32
  }
  func.func @transform_2(%arg0: i32) -> (i32, i32) {
    %c0_i32 = arith.constant 0 : i32
    %c0_i32_0 = arith.constant 0 : i32
    return %arg0, %c0_i32 : i32, i32
  }
  func.func @transform_3(%arg0: i32) -> (i32, i32) {
    %c0_i32 = arith.constant 0 : i32
    %c0_i32_0 = arith.constant 0 : i32
    return %arg0, %c0_i32 : i32, i32
  }
  func.func @transform_4(%arg0: i32) -> (i32, i32) {
    %c0_i32 = arith.constant 0 : i32
    %c0_i32_0 = arith.constant 0 : i32
    %c0_i32_1 = arith.constant 0 : i32
    return %c0_i32, %c0_i32_0 : i32, i32
  }
  func.func @transform_5(%arg0: i32) -> (i32, i32) {
    %c0_i32 = arith.constant 0 : i32
    %c0_i32_0 = arith.constant 0 : i32
    return %arg0, %c0_i32 : i32, i32
  }
}

</mosaic_0001>

<sc_bundles>
// kernel: kernel.11.cloned.1.call-start
scs
__scs_entry_jumppad:
0x0: {  	(pc) =	sbr.rel $0x88, $3  }
0x1: {  	(tag) =	ssettag $0x0;
	lr =	simm.s32 $0x1  }
0x2: {  	[smem:$0x3F9B] =	sst lr;
	_ =	strace $0xD0000000  }
0x3: {  	_ = 	snop  }
0x4: {  	_ = 	snop  }
0x5: {  	_ = 	snop  }
0x6: {  	_ = 	snop  }
0x7: {  	_ = 	snop  }
__scs_overlays_trampoline_lowered:
0x8: {  	[smem:$0x3FAA] =	sst s0  }
0x9: {  	[smem:$0x3FAB] =	sst s1  }
0xa: {  	[smem:$0x3FAC] =	sst s2  }
0xb: {  	[smem:$0x3FAD] =	sst s3  }
0xc: {  	[smem:$0x3FAE] =	sst s4  }
0xd: {  	[smem:$0x3FAF] =	sst s5  }
0xe: {  	[smem:$0x3FB0] =	sst s6  }
0xf: {  	[smem:$0x3FB1] =	sst s7  }
0x10: {  	[smem:$0x3FB2] =	sst s8  }
0x11: {  	[smem:$0x3FB3] =	sst s9;
	s0 =	simm.s32 @!p0 $0x0  }
0x12: {  	s1 =	sld [smem:$0x3F99];
	s0 =	simm.s32 @p0 $0x1  }
0x13: {  	[smem:$0x3FB4] =	sst s0;
	s0 =	simm.s32 @!p1 $0x0  }
0x14: {  	s2 =	sld [smem:$0x3F98];
	s0 =	simm.s32 @p1 $0x1  }
0x15: {  	[smem:$0x3FB5] =	sst s0;
	s0 =	simm.s32 @!p2 $0x0  }
0x16: {  	s3 =	sld [smem:$0x3FDB];
	s0 =	simm.s32 @p2 $0x1  }
0x17: {  	s4 =	simm.s32 $0x1BF5;
	[smem:$0x3FB7] =	sst s0  }
0x18: {  	s0 =	sld [smem:$0x3F9A];
	_ =	swait.ge [sflag:s4], $0x0  }
0x19: {  	s7 =	sld [smem:$0x3F9B]  }
0x1a: {  	s8 =	sadd.s32 $0xFFFFE003, lr  }
0x1b: {  	s9 =	sadd.s32 $0xFFFFFEF7, lr;
	s5 =	simm.s32 $0xFFFFFFFF;
	p2 =	slt.u32 s8, $0xFFFFF086  }
0x1c: {  	p1 =	slt.u32 s9, $0xF7A;
	s5 =	simm.s32 @!p2 $0x0  }
0x1d: {  	s5 =	simm.s32 @p1 $0x1;
	p0 =	seq.s32 s7, s2  }
0x1e: {  	s7 =	smul.u32 @!p0 $0xF7A, s2;
	p2 =	seq.s32 @!p0 s5, $0x0  }
0x1f: {  	s9 =	smul.u32 $0xF7A, s1;
	s8 =	simm.s32 @!p0 $0x1BF5;
	p2 =	por !p2, p0  }
0x20: {  	[sflag:s8] =	ssyncset.s32 @!p0 $0xFFFFF086;
	s6 =	sadd.s32 @!p0 s3, s7;
	s7 =	simm.s32 @!p0 $0x108  }
0x21: {  	s3 =	sadd.s32 s3, s9;
	s6 =	sadd.s32 @!p0 $0x88, s6;
	s7 =	simm.s32 @p2 $0x1082  }
0x22: {  	[simem:s7], [sflag:s8] =	dma.local @!p0 [hbm:s6], $0xF7A  }
0x23: {  	s9 =	sor.u32 $0xD0000000, s2;
	s6 =	simm.s32 $0x108;
	_ =	swait.ge @!p0 [sflag:s8], $0x0  }
0x24: {  	s3 =	sadd.s32 $0x88, s3;
	s6 =	simm.s32 @!p1 $0x1082;
	[sflag:s4] =	ssyncset.s32 $0xFFFFF086  }
0x25: {  	[simem:s6], [sflag:s4] =	dma.local [hbm:s3], $0xF7A  }
0x26: {  	[smem:$0x3F9B] =	sst s1;
	(tag) =	ssettag s2;
	_ =	strace s9  }
0x27: {  	s1 =	sld [smem:$0x3FAB]  }
0x28: {  	s2 =	sld [smem:$0x3FAC]  }
0x29: {  	s4 =	sld [smem:$0x3FAE]  }
0x2a: {  	p0 =	seq.s32 s5, $0x0;
	s5 =	sld [smem:$0x3FAF]  }
0x2b: {  	s6 =	sld [smem:$0x3FB0]  }
0x2c: {  	s7 =	sld [smem:$0x3FB1]  }
0x2d: {  	s3 =	simm.s32 $0x108;
	s8 =	sld [smem:$0x3FB2]  }
0x2e: {  	s3 =	simm.s32 @!p0 $0x1082;
	s9 =	sld [smem:$0x3FB3]  }
0x2f: {  	lr =	sadd.s32 s0, s3;
	s0 =	sld [smem:$0x3FAA]  }
0x30: {  	s3 =	sld [smem:$0x3FAD]  }
0x31: {  	[smem:$0x3FB6] =	sst s10  }
0x32: {  	s10 =	sld [smem:$0x3FB4];
	_ =	sdelay $0x3  }
0x33: {  	p0 =	seq.s32 s10, $0x1;
	s10 =	sld [smem:$0x3FB6];
	_ =	sdelay $0x3  }
0x34: {  	[smem:$0x3FB6] =	sst s10  }
0x35: {  	s10 =	sld [smem:$0x3FB5];
	_ =	sdelay $0x3  }
0x36: {  	p1 =	seq.s32 s10, $0x1;
	s10 =	sld [smem:$0x3FB6];
	_ =	sdelay $0x3  }
0x37: {  	[smem:$0x3FB6] =	sst s10  }
0x38: {  	s10 =	sld [smem:$0x3FB7]  }
0x39: {  	_ = 	snop;
	(pc) =	sbr.ind lr, $3  }
0x3a: {  	_ = 	snop  }
0x3b: {  	_ = 	snop  }
0x3c: {  	p2 =	seq.s32 s10, $0x1;
	s10 =	sld [smem:$0x3FB6]  }
0x3d: {  	_ =	shalt  }
0x3e: {  	_ =	shalt  }
0x3f: {  	_ =	shalt  }
0x40: {  	_ =	shalt  }
0x41: {  	_ =	shalt  }
0x42: {  	_ =	shalt  }
0x43: {  	_ =	shalt  }
0x44: {  	_ =	shalt  }
0x45: {  	_ =	shalt  }
0x46: {  	_ =	shalt  }
0x47: {  	_ =	shalt  }
0x48: {  	_ =	shalt  }
0x49: {  	_ =	shalt  }
0x4a: {  	_ =	shalt  }
0x4b: {  	_ =	shalt  }
0x4c: {  	_ =	shalt  }
0x4d: {  	_ =	shalt  }
0x4e: {  	_ =	shalt  }
0x4f: {  	_ =	shalt  }
0x50: {  	_ =	shalt  }
0x51: {  	_ =	shalt  }
0x52: {  	_ =	shalt  }
0x53: {  	_ =	shalt  }
0x54: {  	_ =	shalt  }
0x55: {  	_ =	shalt  }
0x56: {  	_ =	shalt  }
0x57: {  	_ =	shalt  }
0x58: {  	_ =	shalt  }
0x59: {  	_ =	shalt  }
0x5a: {  	_ =	shalt  }
0x5b: {  	_ =	shalt  }
0x5c: {  	_ =	shalt  }
0x5d: {  	_ =	shalt  }
0x5e: {  	_ =	shalt  }
0x5f: {  	_ =	shalt  }
0x60: {  	_ =	shalt  }
0x61: {  	_ =	shalt  }
0x62: {  	_ =	shalt  }
0x63: {  	_ =	shalt  }
0x64: {  	_ =	shalt  }
0x65: {  	_ =	shalt  }
0x66: {  	_ =	shalt  }
0x67: {  	_ =	shalt  }
0x68: {  	_ =	shalt  }
0x69: {  	_ =	shalt  }
0x6a: {  	_ =	shalt  }
0x6b: {  	_ =	shalt  }
0x6c: {  	_ =	shalt  }
0x6d: {  	_ =	shalt  }
0x6e: {  	_ =	shalt  }
0x6f: {  	_ =	shalt  }
0x70: {  	_ =	shalt  }
0x71: {  	_ =	shalt  }
0x72: {  	_ =	shalt  }
0x73: {  	_ =	shalt  }
0x74: {  	_ =	shalt  }
0x75: {  	_ =	shalt  }
0x76: {  	_ =	shalt  }
0x77: {  	_ =	shalt  }
0x78: {  	_ =	shalt  }
0x79: {  	_ =	shalt  }
0x7a: {  	_ =	shalt  }
0x7b: {  	_ =	shalt  }
0x7c: {  	_ =	shalt  }
0x7d: {  	_ =	shalt  }
0x7e: {  	_ =	shalt  }
0x7f: {  	_ =	shalt  }
0x80: {  	_ =	shalt  }
0x81: {  	_ =	shalt  }
0x82: {  	_ =	shalt  }
0x83: {  	_ =	shalt  }
0x84: {  	_ =	shalt  }
0x85: {  	_ =	shalt  }
0x86: {  	_ =	shalt  }
0x87: {  	_ =	shalt  }
.Lfunc_end0:
.L_simem_size_0:
called_computation.1_lowered:
.L_overlay_start_0:
0x88: {  	s2 =	sld [smem:$0x3FD9]  }
0x89: {  	s3 =	sld [smem:$0x3FFE];
	_ =	sdelay $0x1  }
0x8a: {  	s1 =	srdreg.scid  }
0x8b: {  	s0 =	sand.u32 $0x1, s1  }
0x8c: {  	s17 =	sshll.u32 s0, $0xA;
	s2 =	sadd.s32 s3, s2  }
0x8d: {  	s2 =	sadd.s32 s2, s17  }
0x8e: {  	[smem:$0x3FC2] =	sst s2  }
0x8f: {  	_ = 	snop  }
0x90: {  	s2 =	sld [smem:$0x3FD0];
	(tm) =	ssettm $0x1  }
0x91: {  	s18 =	sld [smem:$0x3FFB];
	_ =	sdelay $0x3  }
0x92: {  	_ =	strace s18  }
0x93: {  	s3 =	sld [smem:$0x3FFC];
	_ =	sdelay $0x3  }
0x94: {  	_ =	strace s3  }
0x95: {  	s3 =	sld [smem:$0x3FFD];
	_ =	sdelay $0x3  }
0x96: {  	_ =	strace s3  }
0x97: {  	_ =	strace $0x8FFFFFFF  }
0x98: {  	s19 =	sld [smem:$0x3FDB];
	_ =	sdelay $0x1  }
0x99: {  	s4 =	simm.s32 $_scs_section_size  }
0x9a: {  	s5 =	simm.s32 $_size__tile_overlayer_lowered;
	s6 =	simm.s32 $_tile_overlayer_lowered  }
0x9b: {  	s22 =	simm.s32 $0x1BFF;
	s21 =	sshll.u32 s6, $0x1;
	s3 =	sadd.s32 s4, s19  }
0x9c: {  	s7 =	simm.s32 $0x0;
	s20 =	sshll.u32 s5, $0x1;
	s5 =	sadd.s32 s21, s3  }
0x9d: {  	[timem:s7], [sflag:s22] =	dma.local [hbm:s5], s20  }
0x9e: {  	_ =	swait.ge [sflag:s22], s20  }
0x9f: {  	s4 =	ssub.s32 $0x0, s20;
	[sflag:s22] =	ssyncset.done $0x0  }
0xa0: {  	[sflag:s22] =	ssyncadd.s32 s4;
	_ =	sdelay $0x1  }
0xa1: {  	s23 =	simm.s32 $0x1B8B  }
0xa2: {  	_ =	swait.ge [sflag:s23], $0x1  }
0xa3: {  	[sflag:s23] =	ssyncset.done $0x0  }
0xa4: {  	s25 =	simm.s32 $0x1B8E;
	s24 =	sld [smem:$0x3FFE];
	[sflag:s23] =	ssyncadd.s32 $0xFFFFFFFF  }
0xa5: {  	s26 =	simm.s32 $execute0_lowered;
	[smem:$0x3FD2] =	sst s25  }
0xa6: {  	s5 =	sshll.u32 s26, $0x1;
	_ =	strace $0x80000049;
	[dreg:$0x1] =	wrdreg $0xFFFFFFFF  }
0xa7: {  	s28 =	simm.s32 $_size_execute0_lowered;
	s3 =	sadd.s32 s3, s5;
	[dreg:$0x0] =	wrdreg $0x0  }
0xa8: {  	s5 =	sshll.u32 s28, $0x1;
	[dreg:$0x2] =	wrdreg s3  }
0xa9: {  	[dreg:$0x3] =	wrdreg s5  }
0xaa: {  	[dreg:$0x4] =	wrdreg $0xC0  }
0xab: {  	_ =	task [dreg:s7], $0x5FFFF  }
0xac: {  	[dreg:$0x1] =	wrdreg $0xFFFFFFFF  }
0xad: {  	[dreg:$0x0] =	wrdreg $0x60  }
0xae: {  	[dreg:$0x2] =	wrdreg s2  }
0xaf: {  	[dreg:$0x3] =	wrdreg s24  }
0xb0: {  	[dreg:$0x4] =	wrdreg $0x60000  }
0xb1: {  	[dreg:$0x5] =	wrdreg $0x9  }
0xb2: {  	_ =	task.clear_ibuf [dreg:s7], $0x6FFFF;
	_ =	strace $0x90000049  }
0xb3: {  	s29 =	simm.s32 $0x9;
	_ =	strace $0x8000004B  }
0xb4: {  	_ =	swait.ge [sflag:s29], $0x1  }
0xb5: {  	[sflag:s29] =	ssyncadd.s32 $0xFFFFFFFF  }
0xb6: {  	_ =	strace $0x9000004B  }
0xb7: {  	_ =	sfence  }
0xb8: {  	s30 =	sld [smem:$0x0];
	_ =	sdelay $0x2  }
0xb9: {  	s31 =	sshll.u32 s1, $0xD;
	s1 =	sshrl.u32 s1, $0x2  }
0xba: {  	s3 =	sand.u32 $0x4000, s31;
	s1 =	sadd.s32 s1, s30  }
0xbb: {  	s0 =	sor.u32 s3, s0;
	s1 =	sshll.u32 s1, $0x11  }
0xbc: {  	s0 =	sor.u32 s1, s0  }
0xbd: {  	s0 =	sadd.s32 $0x8F2B, s0  }
0xbe: {  	[sflag:s0] =	ssyncadd.remote.s32 $0x1  }
0xbf: {  	_ =	sfence.sel $0xFFFF  }
0xc0: {  	[dreg:$0x0] =	wrdreg $0xFFFFFFFF;
	(pc) =	sbr.abs _section_cstart, $3  }
0xc1: {  	[dreg:$0x1] =	wrdreg $0xFFFFFFFF  }
0xc2: {  	_ =	task.clear_ibuf [dreg:s7], $0x2FFFF;
	_ =	strace $0x9FFFFFFF  }
0xc3: {  	(tm) =	ssettm $0x7FFFFFFF  }
tec
execute0_lowered:
.L_overlay_start_1:
0x0: {  	(tag) =	ssettag $0x1  }
0x1: {  	s1 =	rddreg [dreg:$0x0]  }
0x2: {  	s16 =	rddreg [dreg:$0x1]  }
0x3: {  	s3 =	rddreg [dreg:$0x2];
	s4 =	simm.s32 $0x0  }
0x4: {  	s2 =	stileid.u32;
	s6 =	srdreg.scid;
	s21 =	simm.s32 $0x2  }
0x5: {  	s22 =	simm.s32 $0x1000;
	s23 =	simm.s32 $0x7D;
	s24 =	simm.s32 $0x2000  }
0x6: {  	s25 =	simm.s32 $0x1;
	[smem:$0x7FF] =	sst s4;
	s13 =	smul.u32 $0x2700, s2  }
0x7: {  	s5 =	sadd.s32 $0x67200, s16;
	s8 =	sand.u32 $0x1, s6;
	s9 =	smul.u32 $0x4E000, s2  }
0x8: {  	s6 =	sadd.s32 $0x5D200, s16;
	s7 =	sadd.s32 $0x4600, s16;
	s18 =	sadd.s32 $0x124800, s3  }
0x9: {  	s12 =	sadd.s32 $0xB2D00, s16;
	s14 =	sadd.s32 $0x8BB00, s16;
	p1 =	seq.s32 s2, $0xF  }
0xa: {  	_ =	strace $0x8000004A;
	s10 =	ssub.s32 $0x2, s8;
	p0 =	seq.s32 s8, $0x1  }
0xb: {  	s19 =	sshll.u32 @!p1 s2, $0x6;
	s18 =	sshrl.u32 @p1 s18, $0x3;
	s15 =	sadd.s32 s13, s16  }
.Ltmp0:
0xc: {  	s11 =	sshrl.u32 s10, $0x1;
	s9 =	sshrl.u32 s9, $0x2;
	(pc) =	sbr.rel .LBB2_1-.Ltmp0, $4  }
0xd: {  	s8 =	sadd.s32 s1, s13;
	s13 =	sadd.s32 s5, s13;
	s16 =	sadd.s32 $0xD9F00, s16  }
0xe: {  	s19 =	sor.u32 @!p1 $0x1C02, s19;
	s17 =	ssub.s32 s10, s11;
	s20 =	sadd.s32 s9, s3  }
0xf: {  	s9 =	sadd.s32 $0x24900, s1;
	s10 =	smul.u32 $0x5000, s2;
	s11 =	sadd.s32 $0x8E400, s15  }
0x10: {  	s15 =	sadd.s32 $0xB5600, s15;
	s17 =	smax.u32 s17, $0x1;
	s20 =	sshrl.u32 @!p1 s20, $0x3  }
.LBB2_12:
0x11: {  	s4 =	sadd.s32 $0x1, s4  }
0x12: {  	p2 =	sne.s32 s4, s17  }
.Ltmp1:
0x13: {  	_ = 	snop;
	(pc) =	sbr.rel @!p2 .LBB2_13-.Ltmp1, $1  }
0x14: {  	_ =	sdelay $0x3  }
.LBB2_1:
.Ltmp2:
0x15: {  	(pc) =	sbr.rel @!p0 .LBB2_2-.Ltmp2, $1  }
0x16: {  	_ =	sdelay $0x3  }
0x17: {  	s0 =	simm.s32 @p1 $0x1FC2  }
0x18: {  	[spmem:s18], [sflag:s0] =	dma.local @p1 [hbm:s14], $0x2800  }
0x19: {  	s0 =	simm.s32 @p1 $0x2  }
0x1a: {  	_ =	swait.ge @p1 [sflag:s0], $0x2800  }
0x1b: {  	[sflag:s0] =	ssyncset.done @p1 $0x0  }
0x1c: {  	[sflag:s0] =	ssyncadd.s32 @p1 $0xFFFFD800;
	s0 =	simm.s32 @!p1 $0x2  }
0x1d: {  	[spmem:s20], [sflag:s19] =	dma.local @!p1 [hbm:s13], $0x2700  }
0x1e: {  	_ =	swait.ge @!p1 [sflag:s0], $0x2700  }
0x1f: {  	[sflag:s0] =	ssyncset.done @!p1 $0x0  }
0x20: {  	[sflag:s0] =	ssyncadd.s32 @!p1 $0xFFFFD900  }
0x21: {  	s26 =	simm.s32 $0x0;
	s28 =	simm.s32 $0x0;
	[bflag:$0x0] =	sbarrier.arrive $0xFFFF  }
.LBB2_8:
0x22: {  	s0 =	sshll.u32 s28, $0xC  }
0x23: {  	s0 =	sadd.s32 s10, s0  }
0x24: {  	s0 =	sshrl.u32 s0, $0x3  }
0x25: {  	s29 =	sadd.s32 s6, s0  }
0x26: {  	[tilespmem:s26], [sflag:$0x2] =	stream.linear.gather [hbm4b:s29+s26], $0x1000, $0x38;
	[tilespmem:$0x19880] =	vst v63  }
0x27: {  	_ =	swait.ge [sflag:s21], $0x1000  }
0x28: {  	[sflag:s21] =	ssyncset.done $0x0  }
0x29: {  	s0 =	sadd.s32 s7, s0;
	[sflag:s21] =	ssyncadd.s32 $0xFFFFF000  }
0x2a: {  	[tilespmem:s22], [sflag:$0x2] =	stream.linear.gather [hbm4b:s0+s26], $0x1000, $0x38;
	[tilespmem:$0x19880] =	vst v63  }
0x2b: {  	_ =	swait.ge [sflag:s21], $0x1000  }
0x2c: {  	[sflag:s21] =	ssyncset.done $0x0  }
0x2d: {  	s31 =	simm.s32 $0x0;
	[sflag:s21] =	ssyncadd.s32 $0xFFFFF000  }
0x2e: {  	[tilespmem:s24], [sflag:$0x1] =	stream.indirect.gather [hbm4b:s5+s23], $0x80, s31, s23, $0xb8;
	[tilespmem:$0x19880] =	vst v63  }
0x2f: {  	_ =	swait.ge [sflag:s25], $0x3E80  }
0x30: {  	[sflag:s25] =	ssyncset.done $0x0  }
0x31: {  	s31 =	simm.s32 $0x1000;
	[sflag:s25] =	ssyncadd.s32 $0xFFFFC180  }
0x32: {  	[spmem:s3] =	stream.indirect.scatter.add.f32 [tilespmem:s24], [sflag:$0x2], $0x80, s31, s23, $0xb8;
	[tilespmem:$0x19880] =	vst v63  }
0x33: {  	_ =	swait.ge [sflag:s21], $0x3E80  }
0x34: {  	s30 =	simm.s32 $0x400;
	s29 =	simm.s32 $0x200;
	[sflag:s21] =	ssyncset.done $0x0  }
.LBB2_9:
0x35: {  	s0 =	sshra.s32 s29, $0x2  }
0x36: {  	[sflag:s21] =	ssyncadd.s32 $0xFFFFC180;
	s29 =	smov.u32 s30;
	s31 =	sadd.s32 $0x200, s30  }
0x37: {  	[tilespmem:s24], [sflag:$0x1] =	stream.indirect.gather [hbm4b:s5+s23], $0x80, s0, s23, $0xb8;
	[tilespmem:$0x19880] =	vst v63  }
0x38: {  	p2 =	sne.s32 s30, $0x3E00;
	_ =	swait.ge [sflag:s25], $0x3E80  }
.Ltmp3:
0x39: {  	[sflag:s25] =	ssyncset.done $0x0;
	(pc) =	sbr.rel @p2 .LBB2_9-.Ltmp3, $4  }
0x3a: {  	s0 =	sadd.s32 $0x1000, s0;
	[sflag:s25] =	ssyncadd.s32 $0xFFFFC180  }
0x3b: {  	[spmem:s3] =	stream.indirect.scatter.add.f32 [tilespmem:s24], [sflag:$0x2], $0x80, s0, s23, $0xb8;
	[tilespmem:$0x19880] =	vst v63  }
0x3c: {  	_ =	swait.ge [sflag:s21], $0x3E80  }
0x3d: {  	s30 =	smov.u32 s31;
	[sflag:s21] =	ssyncset.done $0x0  }
0x3e: {  	s0 =	sshra.s32 s29, $0x2;
	[sflag:s21] =	ssyncadd.s32 $0xFFFFC180  }
0x3f: {  	[tilespmem:s24], [sflag:$0x1] =	stream.indirect.gather [hbm4b:s5+s23], $0x80, s0, s23, $0xb8;
	[tilespmem:$0x19880] =	vst v63  }
0x40: {  	s28 =	sadd.s32 $0x1, s28;
	_ =	swait.ge [sflag:s25], $0x3E80  }
0x41: {  	p2 =	sne.s32 s28, $0x5;
	[sflag:s25] =	ssyncset.done $0x0  }
.Ltmp4:
0x42: {  	s0 =	sadd.s32 $0x1000, s0;
	[sflag:s25] =	ssyncadd.s32 $0xFFFFC180;
	(pc) =	sbr.rel @p2 .LBB2_8-.Ltmp4, $4  }
0x43: {  	[spmem:s3] =	stream.indirect.scatter.add.f32 [tilespmem:s24], [sflag:$0x2], $0x80, s0, s23, $0xb8;
	[tilespmem:$0x19880] =	vst v63  }
0x44: {  	_ =	swait.ge [sflag:s21], $0x3E80  }
0x45: {  	[sflag:s21] =	ssyncset.done $0x0  }
0x46: {  	[sflag:s21] =	ssyncadd.s32 $0xFFFFC180  }
0x47: {  	[bflag:$0x0] =	sbarrier.arrive $0xFFFF;
	s0 =	simm.s32 @p1 $0x1FC2  }
0x48: {  	[hbm:s16], [sflag:s0] =	dma.local @p1 [spmem:s18], $0x2800  }
0x49: {  	s0 =	simm.s32 @p1 $0x2  }
0x4a: {  	_ =	swait.ge @p1 [sflag:s0], $0x2800  }
0x4b: {  	[sflag:s0] =	ssyncset.done @p1 $0x0  }
.Ltmp5:
0x4c: {  	[sflag:s0] =	ssyncadd.s32 @p1 $0xFFFFD800;
	s0 =	simm.s32 @!p1 $0x2;
	(pc) =	sbr.rel .LBB2_12-.Ltmp5, $4  }
0x4d: {  	[hbm:s15], [sflag:s19] =	dma.local @!p1 [spmem:s20], $0x2700  }
0x4e: {  	_ =	swait.ge @!p1 [sflag:s0], $0x2700  }
0x4f: {  	[sflag:s0] =	ssyncset.done @!p1 $0x0  }
0x50: {  	[sflag:s0] =	ssyncadd.s32 @!p1 $0xFFFFD900  }
.LBB2_2:
0x51: {  	s26 =	simm.s32 @p1 $0x1FC2  }
0x52: {  	[spmem:s18], [sflag:s26] =	dma.local @p1 [hbm:s9], $0x2800  }
0x53: {  	s26 =	simm.s32 @p1 $0x2  }
0x54: {  	_ =	swait.ge @p1 [sflag:s26], $0x2800  }
0x55: {  	[sflag:s26] =	ssyncset.done @p1 $0x0  }
0x56: {  	[sflag:s26] =	ssyncadd.s32 @p1 $0xFFFFD800;
	s26 =	simm.s32 @!p1 $0x2  }
0x57: {  	[spmem:s20], [sflag:s19] =	dma.local @!p1 [hbm:s8], $0x2700  }
0x58: {  	_ =	swait.ge @!p1 [sflag:s26], $0x2700  }
0x59: {  	[sflag:s26] =	ssyncset.done @!p1 $0x0  }
0x5a: {  	[sflag:s26] =	ssyncadd.s32 @!p1 $0xFFFFD900  }
0x5b: {  	s28 =	simm.s32 $0x0;
	s26 =	simm.s32 $0x0;
	[bflag:$0x0] =	sbarrier.arrive $0xFFFF  }
.LBB2_3:
0x5c: {  	s29 =	sshll.u32 s28, $0xC  }
0x5d: {  	s29 =	sadd.s32 s10, s29  }
0x5e: {  	s29 =	sshrl.u32 s29, $0x3  }
0x5f: {  	s30 =	sadd.s32 s6, s29  }
0x60: {  	[tilespmem:s26], [sflag:$0x2] =	stream.linear.gather [hbm4b:s30+s26], $0x1000, $0x38;
	[tilespmem:$0x19880] =	vst v63  }
0x61: {  	_ =	swait.ge [sflag:s21], $0x1000  }
0x62: {  	[sflag:s21] =	ssyncset.done $0x0  }
0x63: {  	s29 =	sadd.s32 s7, s29;
	[sflag:s21] =	ssyncadd.s32 $0xFFFFF000  }
0x64: {  	[tilespmem:s22], [sflag:$0x2] =	stream.linear.gather [hbm4b:s29+s26], $0x1000, $0x38;
	[tilespmem:$0x19880] =	vst v63  }
0x65: {  	_ =	swait.ge [sflag:s21], $0x1000  }
0x66: {  	[sflag:s21] =	ssyncset.done $0x0  }
0x67: {  	s29 =	simm.s32 $0x0;
	[sflag:s21] =	ssyncadd.s32 $0xFFFFF000  }
0x68: {  	[tilespmem:s24], [sflag:$0x1] =	stream.indirect.gather [hbm4b:s1+s23], $0x80, s29, s23, $0xb8;
	[tilespmem:$0x19880] =	vst v63  }
0x69: {  	_ =	swait.ge [sflag:s25], $0x3E80  }
0x6a: {  	[sflag:s25] =	ssyncset.done $0x0  }
0x6b: {  	s29 =	simm.s32 $0x1000;
	[sflag:s25] =	ssyncadd.s32 $0xFFFFC180  }
0x6c: {  	[spmem:s3] =	stream.indirect.scatter.add.f32 [tilespmem:s24], [sflag:$0x2], $0x80, s29, s23, $0xb8;
	[tilespmem:$0x19880] =	vst v63  }
0x6d: {  	_ =	swait.ge [sflag:s21], $0x3E80  }
0x6e: {  	s30 =	simm.s32 $0x400;
	s29 =	simm.s32 $0x200;
	[sflag:s21] =	ssyncset.done $0x0  }
.LBB2_4:
0x6f: {  	s31 =	sshra.s32 s29, $0x2  }
0x70: {  	[sflag:s21] =	ssyncadd.s32 $0xFFFFC180;
	s29 =	smov.u32 s30;
	s0 =	sadd.s32 $0x200, s30  }
0x71: {  	[tilespmem:s24], [sflag:$0x1] =	stream.indirect.gather [hbm4b:s1+s23], $0x80, s31, s23, $0xb8;
	[tilespmem:$0x19880] =	vst v63  }
0x72: {  	p2 =	sne.s32 s30, $0x3E00;
	_ =	swait.ge [sflag:s25], $0x3E80  }
.Ltmp6:
0x73: {  	[sflag:s25] =	ssyncset.done $0x0;
	(pc) =	sbr.rel @p2 .LBB2_4-.Ltmp6, $4  }
0x74: {  	s30 =	sadd.s32 $0x1000, s31;
	[sflag:s25] =	ssyncadd.s32 $0xFFFFC180  }
0x75: {  	[spmem:s3] =	stream.indirect.scatter.add.f32 [tilespmem:s24], [sflag:$0x2], $0x80, s30, s23, $0xb8;
	[tilespmem:$0x19880] =	vst v63  }
0x76: {  	_ =	swait.ge [sflag:s21], $0x3E80  }
0x77: {  	s30 =	smov.u32 s0;
	[sflag:s21] =	ssyncset.done $0x0  }
0x78: {  	s0 =	sshra.s32 s29, $0x2;
	[sflag:s21] =	ssyncadd.s32 $0xFFFFC180  }
0x79: {  	[tilespmem:s24], [sflag:$0x1] =	stream.indirect.gather [hbm4b:s1+s23], $0x80, s0, s23, $0xb8;
	[tilespmem:$0x19880] =	vst v63  }
0x7a: {  	s28 =	sadd.s32 $0x1, s28;
	_ =	swait.ge [sflag:s25], $0x3E80  }
0x7b: {  	p2 =	sne.s32 s28, $0x5;
	[sflag:s25] =	ssyncset.done $0x0  }
.Ltmp7:
0x7c: {  	s0 =	sadd.s32 $0x1000, s0;
	[sflag:s25] =	ssyncadd.s32 $0xFFFFC180;
	(pc) =	sbr.rel @p2 .LBB2_3-.Ltmp7, $4  }
0x7d: {  	[spmem:s3] =	stream.indirect.scatter.add.f32 [tilespmem:s24], [sflag:$0x2], $0x80, s0, s23, $0xb8;
	[tilespmem:$0x19880] =	vst v63  }
0x7e: {  	_ =	swait.ge [sflag:s21], $0x3E80  }
0x7f: {  	[sflag:s21] =	ssyncset.done $0x0  }
0x80: {  	[sflag:s21] =	ssyncadd.s32 $0xFFFFC180  }
0x81: {  	[bflag:$0x0] =	sbarrier.arrive $0xFFFF;
	s0 =	simm.s32 @p1 $0x1FC2  }
0x82: {  	[hbm:s12], [sflag:s0] =	dma.local @p1 [spmem:s18], $0x2800  }
0x83: {  	s0 =	simm.s32 @p1 $0x2  }
0x84: {  	_ =	swait.ge @p1 [sflag:s0], $0x2800  }
0x85: {  	[sflag:s0] =	ssyncset.done @p1 $0x0  }
.Ltmp8:
0x86: {  	[sflag:s0] =	ssyncadd.s32 @p1 $0xFFFFD800;
	s0 =	simm.s32 @!p1 $0x2;
	(pc) =	sbr.rel .LBB2_12-.Ltmp8, $4  }
0x87: {  	[hbm:s11], [sflag:s19] =	dma.local @!p1 [spmem:s20], $0x2700  }
0x88: {  	_ =	swait.ge @!p1 [sflag:s0], $0x2700  }
0x89: {  	[sflag:s0] =	ssyncset.done @!p1 $0x0  }
0x8a: {  	[sflag:s0] =	ssyncadd.s32 @!p1 $0xFFFFD900  }
.LBB2_13:
0x8b: {  	_ =	sfence.sel $0x180000  }
0x8c: {  	[bflag:$0x0] =	sbarrier.arrive $0xFFFF  }
0x8d: {  	_ =	strace $0x9000004A  }
0x8e: {  	[bflag:$0x2] =	sbarrier.arrive $0xFFFF  }
0x8f: {  	p0 =	sne.s32 s2, $0x0;
	s0 =	rddreg [dreg:$0x3]  }
0x90: {  	s0 =	sadd.s32 @!p0 $0x100000, s0  }
0x91: {  	[sflag:s0] =	ssyncadd.tile.s32 @!p0 $0x1;
	_ =	shalt  }
.Lfunc_end2:
_tile_overlayer_lowered:
.L_overlay_start_2:
0x92: {  	(tag) =	ssettag $0x2  }
0x93: {  	s0 =	rddreg [dreg:$0x0];
	s2 =	stileid.u32  }
0x94: {  	s1 =	rddreg [dreg:$0x1];
	p0 =	sne.s32 s2, $0x0  }
0x95: {  	s3 =	rddreg [dreg:$0x2];
	[bflag:$0x3] =	sbarrier.arrive $0xFFFF;
	s2 =	simm.s32 @!p0 $0x1C02  }
0x96: {  	[timem:s3], [sflag:s2] =	dma.local @!p0 [hbm:s0], s1  }
0x97: {  	s0 =	simm.s32 @!p0 $0x2  }
0x98: {  	_ =	swait.ge @!p0 [sflag:s0], s1  }
0x99: {  	s1 =	ssub.s32 @!p0 $0x0, s1;
	[sflag:s0] =	ssyncset.done @!p0 $0x0  }
0x9a: {  	[sflag:s0] =	ssyncadd.s32 @!p0 s1  }
0x9b: {  	[bflag:$0x3] =	sbarrier.arrive $0xFFFF  }
0x9c: {  	_ =	shalt  }

// kernel: kernel.14.cloned.1.call-start
scs
__scs_entry_jumppad:
0x0: {  	(pc) =	sbr.rel $0x88, $3  }
0x1: {  	(tag) =	ssettag $0x0;
	lr =	simm.s32 $0x1  }
0x2: {  	[smem:$0x3F9B] =	sst lr;
	_ =	strace $0xD0000000  }
0x3: {  	_ = 	snop  }
0x4: {  	_ = 	snop  }
0x5: {  	_ = 	snop  }
0x6: {  	_ = 	snop  }
0x7: {  	_ = 	snop  }
__scs_overlays_trampoline_lowered:
0x8: {  	[smem:$0x3FAA] =	sst s0  }
0x9: {  	[smem:$0x3FAB] =	sst s1  }
0xa: {  	[smem:$0x3FAC] =	sst s2  }
0xb: {  	[smem:$0x3FAD] =	sst s3  }
0xc: {  	[smem:$0x3FAE] =	sst s4  }
0xd: {  	[smem:$0x3FAF] =	sst s5  }
0xe: {  	[smem:$0x3FB0] =	sst s6  }
0xf: {  	[smem:$0x3FB1] =	sst s7  }
0x10: {  	[smem:$0x3FB2] =	sst s8  }
0x11: {  	[smem:$0x3FB3] =	sst s9;
	s0 =	simm.s32 @!p0 $0x0  }
0x12: {  	s1 =	sld [smem:$0x3F99];
	s0 =	simm.s32 @p0 $0x1  }
0x13: {  	[smem:$0x3FB4] =	sst s0;
	s0 =	simm.s32 @!p1 $0x0  }
0x14: {  	s2 =	sld [smem:$0x3F98];
	s0 =	simm.s32 @p1 $0x1  }
0x15: {  	[smem:$0x3FB5] =	sst s0;
	s0 =	simm.s32 @!p2 $0x0  }
0x16: {  	s3 =	sld [smem:$0x3FDB];
	s0 =	simm.s32 @p2 $0x1  }
0x17: {  	s4 =	simm.s32 $0x1BF5;
	[smem:$0x3FB7] =	sst s0  }
0x18: {  	s0 =	sld [smem:$0x3F9A];
	_ =	swait.ge [sflag:s4], $0x0  }
0x19: {  	s7 =	sld [smem:$0x3F9B]  }
0x1a: {  	s8 =	sadd.s32 $0xFFFFE003, lr  }
0x1b: {  	s9 =	sadd.s32 $0xFFFFFEF7, lr;
	s5 =	simm.s32 $0xFFFFFFFF;
	p2 =	slt.u32 s8, $0xFFFFF086  }
0x1c: {  	p1 =	slt.u32 s9, $0xF7A;
	s5 =	simm.s32 @!p2 $0x0  }
0x1d: {  	s5 =	simm.s32 @p1 $0x1;
	p0 =	seq.s32 s7, s2  }
0x1e: {  	s7 =	smul.u32 @!p0 $0xF7A, s2;
	p2 =	seq.s32 @!p0 s5, $0x0  }
0x1f: {  	s9 =	smul.u32 $0xF7A, s1;
	s8 =	simm.s32 @!p0 $0x1BF5;
	p2 =	por !p2, p0  }
0x20: {  	[sflag:s8] =	ssyncset.s32 @!p0 $0xFFFFF086;
	s6 =	sadd.s32 @!p0 s3, s7;
	s7 =	simm.s32 @!p0 $0x108  }
0x21: {  	s3 =	sadd.s32 s3, s9;
	s6 =	sadd.s32 @!p0 $0x88, s6;
	s7 =	simm.s32 @p2 $0x1082  }
0x22: {  	[simem:s7], [sflag:s8] =	dma.local @!p0 [hbm:s6], $0xF7A  }
0x23: {  	s9 =	sor.u32 $0xD0000000, s2;
	s6 =	simm.s32 $0x108;
	_ =	swait.ge @!p0 [sflag:s8], $0x0  }
0x24: {  	s3 =	sadd.s32 $0x88, s3;
	s6 =	simm.s32 @!p1 $0x1082;
	[sflag:s4] =	ssyncset.s32 $0xFFFFF086  }
0x25: {  	[simem:s6], [sflag:s4] =	dma.local [hbm:s3], $0xF7A  }
0x26: {  	[smem:$0x3F9B] =	sst s1;
	(tag) =	ssettag s2;
	_ =	strace s9  }
0x27: {  	s1 =	sld [smem:$0x3FAB]  }
0x28: {  	s2 =	sld [smem:$0x3FAC]  }
0x29: {  	s4 =	sld [smem:$0x3FAE]  }
0x2a: {  	p0 =	seq.s32 s5, $0x0;
	s5 =	sld [smem:$0x3FAF]  }
0x2b: {  	s6 =	sld [smem:$0x3FB0]  }
0x2c: {  	s7 =	sld [smem:$0x3FB1]  }
0x2d: {  	s3 =	simm.s32 $0x108;
	s8 =	sld [smem:$0x3FB2]  }
0x2e: {  	s3 =	simm.s32 @!p0 $0x1082;
	s9 =	sld [smem:$0x3FB3]  }
0x2f: {  	lr =	sadd.s32 s0, s3;
	s0 =	sld [smem:$0x3FAA]  }
0x30: {  	s3 =	sld [smem:$0x3FAD]  }
0x31: {  	[smem:$0x3FB6] =	sst s10  }
0x32: {  	s10 =	sld [smem:$0x3FB4];
	_ =	sdelay $0x3  }
0x33: {  	p0 =	seq.s32 s10, $0x1;
	s10 =	sld [smem:$0x3FB6];
	_ =	sdelay $0x3  }
0x34: {  	[smem:$0x3FB6] =	sst s10  }
0x35: {  	s10 =	sld [smem:$0x3FB5];
	_ =	sdelay $0x3  }
0x36: {  	p1 =	seq.s32 s10, $0x1;
	s10 =	sld [smem:$0x3FB6];
	_ =	sdelay $0x3  }
0x37: {  	[smem:$0x3FB6] =	sst s10  }
0x38: {  	s10 =	sld [smem:$0x3FB7]  }
0x39: {  	_ = 	snop;
	(pc) =	sbr.ind lr, $3  }
0x3a: {  	_ = 	snop  }
0x3b: {  	_ = 	snop  }
0x3c: {  	p2 =	seq.s32 s10, $0x1;
	s10 =	sld [smem:$0x3FB6]  }
0x3d: {  	_ =	shalt  }
0x3e: {  	_ =	shalt  }
0x3f: {  	_ =	shalt  }
0x40: {  	_ =	shalt  }
0x41: {  	_ =	shalt  }
0x42: {  	_ =	shalt  }
0x43: {  	_ =	shalt  }
0x44: {  	_ =	shalt  }
0x45: {  	_ =	shalt  }
0x46: {  	_ =	shalt  }
0x47: {  	_ =	shalt  }
0x48: {  	_ =	shalt  }
0x49: {  	_ =	shalt  }
0x4a: {  	_ =	shalt  }
0x4b: {  	_ =	shalt  }
0x4c: {  	_ =	shalt  }
0x4d: {  	_ =	shalt  }
0x4e: {  	_ =	shalt  }
0x4f: {  	_ =	shalt  }
0x50: {  	_ =	shalt  }
0x51: {  	_ =	shalt  }
0x52: {  	_ =	shalt  }
0x53: {  	_ =	shalt  }
0x54: {  	_ =	shalt  }
0x55: {  	_ =	shalt  }
0x56: {  	_ =	shalt  }
0x57: {  	_ =	shalt  }
0x58: {  	_ =	shalt  }
0x59: {  	_ =	shalt  }
0x5a: {  	_ =	shalt  }
0x5b: {  	_ =	shalt  }
0x5c: {  	_ =	shalt  }
0x5d: {  	_ =	shalt  }
0x5e: {  	_ =	shalt  }
0x5f: {  	_ =	shalt  }
0x60: {  	_ =	shalt  }
0x61: {  	_ =	shalt  }
0x62: {  	_ =	shalt  }
0x63: {  	_ =	shalt  }
0x64: {  	_ =	shalt  }
0x65: {  	_ =	shalt  }
0x66: {  	_ =	shalt  }
0x67: {  	_ =	shalt  }
0x68: {  	_ =	shalt  }
0x69: {  	_ =	shalt  }
0x6a: {  	_ =	shalt  }
0x6b: {  	_ =	shalt  }
0x6c: {  	_ =	shalt  }
0x6d: {  	_ =	shalt  }
0x6e: {  	_ =	shalt  }
0x6f: {  	_ =	shalt  }
0x70: {  	_ =	shalt  }
0x71: {  	_ =	shalt  }
0x72: {  	_ =	shalt  }
0x73: {  	_ =	shalt  }
0x74: {  	_ =	shalt  }
0x75: {  	_ =	shalt  }
0x76: {  	_ =	shalt  }
0x77: {  	_ =	shalt  }
0x78: {  	_ =	shalt  }
0x79: {  	_ =	shalt  }
0x7a: {  	_ =	shalt  }
0x7b: {  	_ =	shalt  }
0x7c: {  	_ =	shalt  }
0x7d: {  	_ =	shalt  }
0x7e: {  	_ =	shalt  }
0x7f: {  	_ =	shalt  }
0x80: {  	_ =	shalt  }
0x81: {  	_ =	shalt  }
0x82: {  	_ =	shalt  }
0x83: {  	_ =	shalt  }
0x84: {  	_ =	shalt  }
0x85: {  	_ =	shalt  }
0x86: {  	_ =	shalt  }
0x87: {  	_ =	shalt  }
.Lfunc_end0:
.L_simem_size_0:
called_computation.2_lowered:
.L_overlay_start_0:
0x88: {  	s2 =	sld [smem:$0x3FD9]  }
0x89: {  	s3 =	sld [smem:$0x3FFE];
	_ =	sdelay $0x1  }
0x8a: {  	s1 =	srdreg.scid  }
0x8b: {  	s0 =	sand.u32 $0x1, s1  }
0x8c: {  	s17 =	sshll.u32 s0, $0xA;
	s2 =	sadd.s32 s3, s2  }
0x8d: {  	s2 =	sadd.s32 s2, s17  }
0x8e: {  	[smem:$0x3FC2] =	sst s2  }
0x8f: {  	_ = 	snop  }
0x90: {  	s2 =	sld [smem:$0x3FD0];
	(tm) =	ssettm $0x1  }
0x91: {  	s18 =	sld [smem:$0x3FFB];
	_ =	sdelay $0x3  }
0x92: {  	_ =	strace s18  }
0x93: {  	s3 =	sld [smem:$0x3FFC];
	_ =	sdelay $0x3  }
0x94: {  	_ =	strace s3  }
0x95: {  	s3 =	sld [smem:$0x3FFD];
	_ =	sdelay $0x3  }
0x96: {  	_ =	strace s3  }
0x97: {  	_ =	strace $0x8FFFFFFF  }
0x98: {  	s19 =	sld [smem:$0x3FDB];
	_ =	sdelay $0x1  }
0x99: {  	s4 =	simm.s32 $_scs_section_size  }
0x9a: {  	s5 =	simm.s32 $_size__tile_overlayer_lowered;
	s6 =	simm.s32 $_tile_overlayer_lowered  }
0x9b: {  	s22 =	simm.s32 $0x1BFF;
	s21 =	sshll.u32 s6, $0x1;
	s3 =	sadd.s32 s4, s19  }
0x9c: {  	s7 =	simm.s32 $0x0;
	s20 =	sshll.u32 s5, $0x1;
	s5 =	sadd.s32 s21, s3  }
0x9d: {  	[timem:s7], [sflag:s22] =	dma.local [hbm:s5], s20  }
0x9e: {  	_ =	swait.ge [sflag:s22], s20  }
0x9f: {  	s4 =	ssub.s32 $0x0, s20;
	[sflag:s22] =	ssyncset.done $0x0  }
0xa0: {  	[sflag:s22] =	ssyncadd.s32 s4;
	_ =	sdelay $0x1  }
0xa1: {  	s23 =	simm.s32 $0x1B8B  }
0xa2: {  	_ =	swait.ge [sflag:s23], $0x1  }
0xa3: {  	[sflag:s23] =	ssyncset.done $0x0  }
0xa4: {  	s25 =	simm.s32 $0x1B8E;
	s24 =	sld [smem:$0x3FFE];
	[sflag:s23] =	ssyncadd.s32 $0xFFFFFFFF  }
0xa5: {  	s26 =	simm.s32 $execute0_lowered;
	[smem:$0x3FD2] =	sst s25  }
0xa6: {  	s5 =	sshll.u32 s26, $0x1;
	_ =	strace $0x8000004C;
	[dreg:$0x1] =	wrdreg $0xFFFFFFFF  }
0xa7: {  	s28 =	simm.s32 $_size_execute0_lowered;
	s3 =	sadd.s32 s3, s5;
	[dreg:$0x0] =	wrdreg $0x0  }
0xa8: {  	s5 =	sshll.u32 s28, $0x1;
	[dreg:$0x2] =	wrdreg s3  }
0xa9: {  	[dreg:$0x3] =	wrdreg s5  }
0xaa: {  	[dreg:$0x4] =	wrdreg $0xC0  }
0xab: {  	_ =	task [dreg:s7], $0x5FFFF  }
0xac: {  	[dreg:$0x1] =	wrdreg $0xFFFFFFFF  }
0xad: {  	[dreg:$0x0] =	wrdreg $0x60  }
0xae: {  	[dreg:$0x2] =	wrdreg s2  }
0xaf: {  	[dreg:$0x3] =	wrdreg s24  }
0xb0: {  	[dreg:$0x4] =	wrdreg $0x60000  }
0xb1: {  	[dreg:$0x5] =	wrdreg $0x9  }
0xb2: {  	_ =	task.clear_ibuf [dreg:s7], $0x6FFFF;
	_ =	strace $0x9000004C  }
0xb3: {  	s29 =	simm.s32 $0x9;
	_ =	strace $0x8000004E  }
0xb4: {  	_ =	swait.ge [sflag:s29], $0x1  }
0xb5: {  	[sflag:s29] =	ssyncadd.s32 $0xFFFFFFFF  }
0xb6: {  	_ =	strace $0x9000004E  }
0xb7: {  	_ =	sfence  }
0xb8: {  	s30 =	sld [smem:$0x0];
	_ =	sdelay $0x2  }
0xb9: {  	s31 =	sshll.u32 s1, $0xD;
	s1 =	sshrl.u32 s1, $0x2  }
0xba: {  	s3 =	sand.u32 $0x4000, s31;
	s1 =	sadd.s32 s1, s30  }
0xbb: {  	s0 =	sor.u32 s3, s0;
	s1 =	sshll.u32 s1, $0x11  }
0xbc: {  	s0 =	sor.u32 s1, s0  }
0xbd: {  	s0 =	sadd.s32 $0x8F2B, s0  }
0xbe: {  	[sflag:s0] =	ssyncadd.remote.s32 $0x1  }
0xbf: {  	_ =	sfence.sel $0xFFFF  }
0xc0: {  	[dreg:$0x0] =	wrdreg $0xFFFFFFFF;
	(pc) =	sbr.abs _section_cstart, $3  }
0xc1: {  	[dreg:$0x1] =	wrdreg $0xFFFFFFFF  }
0xc2: {  	_ =	task.clear_ibuf [dreg:s7], $0x2FFFF;
	_ =	strace $0x9FFFFFFF  }
0xc3: {  	(tm) =	ssettm $0x7FFFFFFF  }
tec
execute0_lowered:
.L_overlay_start_1:
0x0: {  	(tag) =	ssettag $0x1  }
0x1: {  	s1 =	rddreg [dreg:$0x0]  }
0x2: {  	s16 =	rddreg [dreg:$0x1]  }
0x3: {  	s3 =	rddreg [dreg:$0x2];
	s4 =	simm.s32 $0x0  }
0x4: {  	s2 =	stileid.u32;
	s6 =	srdreg.scid;
	s21 =	simm.s32 $0x2  }
0x5: {  	s22 =	simm.s32 $0x1000;
	s23 =	simm.s32 $0x7D;
	s24 =	simm.s32 $0x2000  }
0x6: {  	s25 =	simm.s32 $0x1;
	[smem:$0x7FF] =	sst s4;
	s13 =	smul.u32 $0x2700, s2  }
0x7: {  	s5 =	sadd.s32 $0x67200, s16;
	s8 =	sand.u32 $0x1, s6;
	s9 =	smul.u32 $0x4E000, s2  }
0x8: {  	s6 =	sadd.s32 $0x5D200, s16;
	s7 =	sadd.s32 $0x4600, s16;
	s18 =	sadd.s32 $0x124800, s3  }
0x9: {  	s12 =	sadd.s32 $0xB2D00, s16;
	s14 =	sadd.s32 $0x8BB00, s16;
	p1 =	seq.s32 s2, $0xF  }
0xa: {  	_ =	strace $0x8000004D;
	s10 =	ssub.s32 $0x2, s8;
	p0 =	seq.s32 s8, $0x1  }
0xb: {  	s19 =	sshll.u32 @!p1 s2, $0x6;
	s18 =	sshrl.u32 @p1 s18, $0x3;
	s15 =	sadd.s32 s13, s16  }
.Ltmp0:
0xc: {  	s11 =	sshrl.u32 s10, $0x1;
	s9 =	sshrl.u32 s9, $0x2;
	(pc) =	sbr.rel .LBB2_1-.Ltmp0, $4  }
0xd: {  	s8 =	sadd.s32 s1, s13;
	s13 =	sadd.s32 s5, s13;
	s16 =	sadd.s32 $0xD9F00, s16  }
0xe: {  	s19 =	sor.u32 @!p1 $0x1C02, s19;
	s17 =	ssub.s32 s10, s11;
	s20 =	sadd.s32 s9, s3  }
0xf: {  	s9 =	sadd.s32 $0x24900, s1;
	s10 =	smul.u32 $0x5000, s2;
	s11 =	sadd.s32 $0x8E400, s15  }
0x10: {  	s15 =	sadd.s32 $0xB5600, s15;
	s17 =	smax.u32 s17, $0x1;
	s20 =	sshrl.u32 @!p1 s20, $0x3  }
.LBB2_12:
0x11: {  	s4 =	sadd.s32 $0x1, s4  }
0x12: {  	p2 =	sne.s32 s4, s17  }
.Ltmp1:
0x13: {  	_ = 	snop;
	(pc) =	sbr.rel @!p2 .LBB2_13-.Ltmp1, $1  }
0x14: {  	_ =	sdelay $0x3  }
.LBB2_1:
.Ltmp2:
0x15: {  	(pc) =	sbr.rel @!p0 .LBB2_2-.Ltmp2, $1  }
0x16: {  	_ =	sdelay $0x3  }
0x17: {  	s0 =	simm.s32 @p1 $0x1FC2  }
0x18: {  	[spmem:s18], [sflag:s0] =	dma.local @p1 [hbm:s14], $0x2800  }
0x19: {  	s0 =	simm.s32 @p1 $0x2  }
0x1a: {  	_ =	swait.ge @p1 [sflag:s0], $0x2800  }
0x1b: {  	[sflag:s0] =	ssyncset.done @p1 $0x0  }
0x1c: {  	[sflag:s0] =	ssyncadd.s32 @p1 $0xFFFFD800;
	s0 =	simm.s32 @!p1 $0x2  }
0x1d: {  	[spmem:s20], [sflag:s19] =	dma.local @!p1 [hbm:s13], $0x2700  }
0x1e: {  	_ =	swait.ge @!p1 [sflag:s0], $0x2700  }
0x1f: {  	[sflag:s0] =	ssyncset.done @!p1 $0x0  }
0x20: {  	[sflag:s0] =	ssyncadd.s32 @!p1 $0xFFFFD900  }
0x21: {  	s26 =	simm.s32 $0x0;
	s28 =	simm.s32 $0x0;
	[bflag:$0x0] =	sbarrier.arrive $0xFFFF  }
.LBB2_8:
0x22: {  	s0 =	sshll.u32 s28, $0xC  }
0x23: {  	s0 =	sadd.s32 s10, s0  }
0x24: {  	s0 =	sshrl.u32 s0, $0x3  }
0x25: {  	s29 =	sadd.s32 s6, s0  }
0x26: {  	[tilespmem:s26], [sflag:$0x2] =	stream.linear.gather [hbm4b:s29+s26], $0x1000, $0x38;
	[tilespmem:$0x19880] =	vst v63  }
0x27: {  	_ =	swait.ge [sflag:s21], $0x1000  }
0x28: {  	[sflag:s21] =	ssyncset.done $0x0  }
0x29: {  	s0 =	sadd.s32 s7, s0;
	[sflag:s21] =	ssyncadd.s32 $0xFFFFF000  }
0x2a: {  	[tilespmem:s22], [sflag:$0x2] =	stream.linear.gather [hbm4b:s0+s26], $0x1000, $0x38;
	[tilespmem:$0x19880] =	vst v63  }
0x2b: {  	_ =	swait.ge [sflag:s21], $0x1000  }
0x2c: {  	[sflag:s21] =	ssyncset.done $0x0  }
0x2d: {  	s31 =	simm.s32 $0x0;
	[sflag:s21] =	ssyncadd.s32 $0xFFFFF000  }
0x2e: {  	[tilespmem:s24], [sflag:$0x1] =	stream.indirect.gather [hbm4b:s5+s23], $0x80, s31, s23, $0xb8;
	[tilespmem:$0x19880] =	vst v63  }
0x2f: {  	_ =	swait.ge [sflag:s25], $0x3E80  }
0x30: {  	[sflag:s25] =	ssyncset.done $0x0  }
0x31: {  	s31 =	simm.s32 $0x1000;
	[sflag:s25] =	ssyncadd.s32 $0xFFFFC180  }
0x32: {  	[spmem:s3] =	stream.indirect.scatter.add.f32 [tilespmem:s24], [sflag:$0x2], $0x80, s31, s23, $0xb8;
	[tilespmem:$0x19880] =	vst v63  }
0x33: {  	_ =	swait.ge [sflag:s21], $0x3E80  }
0x34: {  	s30 =	simm.s32 $0x400;
	s29 =	simm.s32 $0x200;
	[sflag:s21] =	ssyncset.done $0x0  }
.LBB2_9:
0x35: {  	s0 =	sshra.s32 s29, $0x2  }
0x36: {  	[sflag:s21] =	ssyncadd.s32 $0xFFFFC180;
	s29 =	smov.u32 s30;
	s31 =	sadd.s32 $0x200, s30  }
0x37: {  	[tilespmem:s24], [sflag:$0x1] =	stream.indirect.gather [hbm4b:s5+s23], $0x80, s0, s23, $0xb8;
	[tilespmem:$0x19880] =	vst v63  }
0x38: {  	p2 =	sne.s32 s30, $0x3E00;
	_ =	swait.ge [sflag:s25], $0x3E80  }
.Ltmp3:
0x39: {  	[sflag:s25] =	ssyncset.done $0x0;
	(pc) =	sbr.rel @p2 .LBB2_9-.Ltmp3, $4  }
0x3a: {  	s0 =	sadd.s32 $0x1000, s0;
	[sflag:s25] =	ssyncadd.s32 $0xFFFFC180  }
0x3b: {  	[spmem:s3] =	stream.indirect.scatter.add.f32 [tilespmem:s24], [sflag:$0x2], $0x80, s0, s23, $0xb8;
	[tilespmem:$0x19880] =	vst v63  }
0x3c: {  	_ =	swait.ge [sflag:s21], $0x3E80  }
0x3d: {  	s30 =	smov.u32 s31;
	[sflag:s21] =	ssyncset.done $0x0  }
0x3e: {  	s0 =	sshra.s32 s29, $0x2;
	[sflag:s21] =	ssyncadd.s32 $0xFFFFC180  }
0x3f: {  	[tilespmem:s24], [sflag:$0x1] =	stream.indirect.gather [hbm4b:s5+s23], $0x80, s0, s23, $0xb8;
	[tilespmem:$0x19880] =	vst v63  }
0x40: {  	s28 =	sadd.s32 $0x1, s28;
	_ =	swait.ge [sflag:s25], $0x3E80  }
0x41: {  	p2 =	sne.s32 s28, $0x5;
	[sflag:s25] =	ssyncset.done $0x0  }
.Ltmp4:
0x42: {  	s0 =	sadd.s32 $0x1000, s0;
	[sflag:s25] =	ssyncadd.s32 $0xFFFFC180;
	(pc) =	sbr.rel @p2 .LBB2_8-.Ltmp4, $4  }
0x43: {  	[spmem:s3] =	stream.indirect.scatter.add.f32 [tilespmem:s24], [sflag:$0x2], $0x80, s0, s23, $0xb8;
	[tilespmem:$0x19880] =	vst v63  }
0x44: {  	_ =	swait.ge [sflag:s21], $0x3E80  }
0x45: {  	[sflag:s21] =	ssyncset.done $0x0  }
0x46: {  	[sflag:s21] =	ssyncadd.s32 $0xFFFFC180  }
0x47: {  	[bflag:$0x0] =	sbarrier.arrive $0xFFFF;
	s0 =	simm.s32 @p1 $0x1FC2  }
0x48: {  	[hbm:s16], [sflag:s0] =	dma.local @p1 [spmem:s18], $0x2800  }
0x49: {  	s0 =	simm.s32 @p1 $0x2  }
0x4a: {  	_ =	swait.ge @p1 [sflag:s0], $0x2800  }
0x4b: {  	[sflag:s0] =	ssyncset.done @p1 $0x0  }
.Ltmp5:
0x4c: {  	[sflag:s0] =	ssyncadd.s32 @p1 $0xFFFFD800;
	s0 =	simm.s32 @!p1 $0x2;
	(pc) =	sbr.rel .LBB2_12-.Ltmp5, $4  }
0x4d: {  	[hbm:s15], [sflag:s19] =	dma.local @!p1 [spmem:s20], $0x2700  }
0x4e: {  	_ =	swait.ge @!p1 [sflag:s0], $0x2700  }
0x4f: {  	[sflag:s0] =	ssyncset.done @!p1 $0x0  }
0x50: {  	[sflag:s0] =	ssyncadd.s32 @!p1 $0xFFFFD900  }
.LBB2_2:
0x51: {  	s26 =	simm.s32 @p1 $0x1FC2  }
0x52: {  	[spmem:s18], [sflag:s26] =	dma.local @p1 [hbm:s9], $0x2800  }
0x53: {  	s26 =	simm.s32 @p1 $0x2  }
0x54: {  	_ =	swait.ge @p1 [sflag:s26], $0x2800  }
0x55: {  	[sflag:s26] =	ssyncset.done @p1 $0x0  }
0x56: {  	[sflag:s26] =	ssyncadd.s32 @p1 $0xFFFFD800;
	s26 =	simm.s32 @!p1 $0x2  }
0x57: {  	[spmem:s20], [sflag:s19] =	dma.local @!p1 [hbm:s8], $0x2700  }
0x58: {  	_ =	swait.ge @!p1 [sflag:s26], $0x2700  }
0x59: {  	[sflag:s26] =	ssyncset.done @!p1 $0x0  }
0x5a: {  	[sflag:s26] =	ssyncadd.s32 @!p1 $0xFFFFD900  }
0x5b: {  	s28 =	simm.s32 $0x0;
	s26 =	simm.s32 $0x0;
	[bflag:$0x0] =	sbarrier.arrive $0xFFFF  }
.LBB2_3:
0x5c: {  	s29 =	sshll.u32 s28, $0xC  }
0x5d: {  	s29 =	sadd.s32 s10, s29  }
0x5e: {  	s29 =	sshrl.u32 s29, $0x3  }
0x5f: {  	s30 =	sadd.s32 s6, s29  }
0x60: {  	[tilespmem:s26], [sflag:$0x2] =	stream.linear.gather [hbm4b:s30+s26], $0x1000, $0x38;
	[tilespmem:$0x19880] =	vst v63  }
0x61: {  	_ =	swait.ge [sflag:s21], $0x1000  }
0x62: {  	[sflag:s21] =	ssyncset.done $0x0  }
0x63: {  	s29 =	sadd.s32 s7, s29;
	[sflag:s21] =	ssyncadd.s32 $0xFFFFF000  }
0x64: {  	[tilespmem:s22], [sflag:$0x2] =	stream.linear.gather [hbm4b:s29+s26], $0x1000, $0x38;
	[tilespmem:$0x19880] =	vst v63  }
0x65: {  	_ =	swait.ge [sflag:s21], $0x1000  }
0x66: {  	[sflag:s21] =	ssyncset.done $0x0  }
0x67: {  	s29 =	simm.s32 $0x0;
	[sflag:s21] =	ssyncadd.s32 $0xFFFFF000  }
0x68: {  	[tilespmem:s24], [sflag:$0x1] =	stream.indirect.gather [hbm4b:s1+s23], $0x80, s29, s23, $0xb8;
	[tilespmem:$0x19880] =	vst v63  }
0x69: {  	_ =	swait.ge [sflag:s25], $0x3E80  }
0x6a: {  	[sflag:s25] =	ssyncset.done $0x0  }
0x6b: {  	s29 =	simm.s32 $0x1000;
	[sflag:s25] =	ssyncadd.s32 $0xFFFFC180  }
0x6c: {  	[spmem:s3] =	stream.indirect.scatter.add.f32 [tilespmem:s24], [sflag:$0x2], $0x80, s29, s23, $0xb8;
	[tilespmem:$0x19880] =	vst v63  }
0x6d: {  	_ =	swait.ge [sflag:s21], $0x3E80  }
0x6e: {  	s30 =	simm.s32 $0x400;
	s29 =	simm.s32 $0x200;
	[sflag:s21] =	ssyncset.done $0x0  }
.LBB2_4:
0x6f: {  	s31 =	sshra.s32 s29, $0x2  }
0x70: {  	[sflag:s21] =	ssyncadd.s32 $0xFFFFC180;
	s29 =	smov.u32 s30;
	s0 =	sadd.s32 $0x200, s30  }
0x71: {  	[tilespmem:s24], [sflag:$0x1] =	stream.indirect.gather [hbm4b:s1+s23], $0x80, s31, s23, $0xb8;
	[tilespmem:$0x19880] =	vst v63  }
0x72: {  	p2 =	sne.s32 s30, $0x3E00;
	_ =	swait.ge [sflag:s25], $0x3E80  }
.Ltmp6:
0x73: {  	[sflag:s25] =	ssyncset.done $0x0;
	(pc) =	sbr.rel @p2 .LBB2_4-.Ltmp6, $4  }
0x74: {  	s30 =	sadd.s32 $0x1000, s31;
	[sflag:s25] =	ssyncadd.s32 $0xFFFFC180  }
0x75: {  	[spmem:s3] =	stream.indirect.scatter.add.f32 [tilespmem:s24], [sflag:$0x2], $0x80, s30, s23, $0xb8;
	[tilespmem:$0x19880] =	vst v63  }
0x76: {  	_ =	swait.ge [sflag:s21], $0x3E80  }
0x77: {  	s30 =	smov.u32 s0;
	[sflag:s21] =	ssyncset.done $0x0  }
0x78: {  	s0 =	sshra.s32 s29, $0x2;
	[sflag:s21] =	ssyncadd.s32 $0xFFFFC180  }
0x79: {  	[tilespmem:s24], [sflag:$0x1] =	stream.indirect.gather [hbm4b:s1+s23], $0x80, s0, s23, $0xb8;
	[tilespmem:$0x19880] =	vst v63  }
0x7a: {  	s28 =	sadd.s32 $0x1, s28;
	_ =	swait.ge [sflag:s25], $0x3E80  }
0x7b: {  	p2 =	sne.s32 s28, $0x5;
	[sflag:s25] =	ssyncset.done $0x0  }
.Ltmp7:
0x7c: {  	s0 =	sadd.s32 $0x1000, s0;
	[sflag:s25] =	ssyncadd.s32 $0xFFFFC180;
	(pc) =	sbr.rel @p2 .LBB2_3-.Ltmp7, $4  }
0x7d: {  	[spmem:s3] =	stream.indirect.scatter.add.f32 [tilespmem:s24], [sflag:$0x2], $0x80, s0, s23, $0xb8;
	[tilespmem:$0x19880] =	vst v63  }
0x7e: {  	_ =	swait.ge [sflag:s21], $0x3E80  }
0x7f: {  	[sflag:s21] =	ssyncset.done $0x0  }
0x80: {  	[sflag:s21] =	ssyncadd.s32 $0xFFFFC180  }
0x81: {  	[bflag:$0x0] =	sbarrier.arrive $0xFFFF;
	s0 =	simm.s32 @p1 $0x1FC2  }
0x82: {  	[hbm:s12], [sflag:s0] =	dma.local @p1 [spmem:s18], $0x2800  }
0x83: {  	s0 =	simm.s32 @p1 $0x2  }
0x84: {  	_ =	swait.ge @p1 [sflag:s0], $0x2800  }
0x85: {  	[sflag:s0] =	ssyncset.done @p1 $0x0  }
.Ltmp8:
0x86: {  	[sflag:s0] =	ssyncadd.s32 @p1 $0xFFFFD800;
	s0 =	simm.s32 @!p1 $0x2;
	(pc) =	sbr.rel .LBB2_12-.Ltmp8, $4  }
0x87: {  	[hbm:s11], [sflag:s19] =	dma.local @!p1 [spmem:s20], $0x2700  }
0x88: {  	_ =	swait.ge @!p1 [sflag:s0], $0x2700  }
0x89: {  	[sflag:s0] =	ssyncset.done @!p1 $0x0  }
0x8a: {  	[sflag:s0] =	ssyncadd.s32 @!p1 $0xFFFFD900  }
.LBB2_13:
0x8b: {  	_ =	sfence.sel $0x180000  }
0x8c: {  	[bflag:$0x0] =	sbarrier.arrive $0xFFFF  }
0x8d: {  	_ =	strace $0x9000004D  }
0x8e: {  	[bflag:$0x2] =	sbarrier.arrive $0xFFFF  }
0x8f: {  	p0 =	sne.s32 s2, $0x0;
	s0 =	rddreg [dreg:$0x3]  }
0x90: {  	s0 =	sadd.s32 @!p0 $0x100000, s0  }
0x91: {  	[sflag:s0] =	ssyncadd.tile.s32 @!p0 $0x1;
	_ =	shalt  }
.Lfunc_end2:
_tile_overlayer_lowered:
.L_overlay_start_2:
0x92: {  	(tag) =	ssettag $0x2  }
0x93: {  	s0 =	rddreg [dreg:$0x0];
	s2 =	stileid.u32  }
0x94: {  	s1 =	rddreg [dreg:$0x1];
	p0 =	sne.s32 s2, $0x0  }
0x95: {  	s3 =	rddreg [dreg:$0x2];
	[bflag:$0x3] =	sbarrier.arrive $0xFFFF;
	s2 =	simm.s32 @!p0 $0x1C02  }
0x96: {  	[timem:s3], [sflag:s2] =	dma.local @!p0 [hbm:s0], s1  }
0x97: {  	s0 =	simm.s32 @!p0 $0x2  }
0x98: {  	_ =	swait.ge @!p0 [sflag:s0], s1  }
0x99: {  	s1 =	ssub.s32 @!p0 $0x0, s1;
	[sflag:s0] =	ssyncset.done @!p0 $0x0  }
0x9a: {  	[sflag:s0] =	ssyncadd.s32 @!p0 s1  }
0x9b: {  	[bflag:$0x3] =	sbarrier.arrive $0xFFFF  }
0x9c: {  	_ =	shalt  }

// kernel: kernel.8.cloned.1.call-start
scs
__scs_entry_jumppad:
0x0: {  	(pc) =	sbr.rel $0x88, $3  }
0x1: {  	(tag) =	ssettag $0x0;
	lr =	simm.s32 $0x1  }
0x2: {  	[smem:$0x3F9B] =	sst lr;
	_ =	strace $0xD0000000  }
0x3: {  	_ = 	snop  }
0x4: {  	_ = 	snop  }
0x5: {  	_ = 	snop  }
0x6: {  	_ = 	snop  }
0x7: {  	_ = 	snop  }
__scs_overlays_trampoline_lowered:
0x8: {  	[smem:$0x3FAA] =	sst s0  }
0x9: {  	[smem:$0x3FAB] =	sst s1  }
0xa: {  	[smem:$0x3FAC] =	sst s2  }
0xb: {  	[smem:$0x3FAD] =	sst s3  }
0xc: {  	[smem:$0x3FAE] =	sst s4  }
0xd: {  	[smem:$0x3FAF] =	sst s5  }
0xe: {  	[smem:$0x3FB0] =	sst s6  }
0xf: {  	[smem:$0x3FB1] =	sst s7  }
0x10: {  	[smem:$0x3FB2] =	sst s8  }
0x11: {  	[smem:$0x3FB3] =	sst s9;
	s0 =	simm.s32 @!p0 $0x0  }
0x12: {  	s1 =	sld [smem:$0x3F99];
	s0 =	simm.s32 @p0 $0x1  }
0x13: {  	[smem:$0x3FB4] =	sst s0;
	s0 =	simm.s32 @!p1 $0x0  }
0x14: {  	s2 =	sld [smem:$0x3F98];
	s0 =	simm.s32 @p1 $0x1  }
0x15: {  	[smem:$0x3FB5] =	sst s0;
	s0 =	simm.s32 @!p2 $0x0  }
0x16: {  	s3 =	sld [smem:$0x3FDB];
	s0 =	simm.s32 @p2 $0x1  }
0x17: {  	s4 =	simm.s32 $0x1BF5;
	[smem:$0x3FB7] =	sst s0  }
0x18: {  	s0 =	sld [smem:$0x3F9A];
	_ =	swait.ge [sflag:s4], $0x0  }
0x19: {  	s7 =	sld [smem:$0x3F9B]  }
0x1a: {  	s8 =	sadd.s32 $0xFFFFE003, lr  }
0x1b: {  	s9 =	sadd.s32 $0xFFFFFEF7, lr;
	s5 =	simm.s32 $0xFFFFFFFF;
	p2 =	slt.u32 s8, $0xFFFFF086  }
0x1c: {  	p1 =	slt.u32 s9, $0xF7A;
	s5 =	simm.s32 @!p2 $0x0  }
0x1d: {  	s5 =	simm.s32 @p1 $0x1;
	p0 =	seq.s32 s7, s2  }
0x1e: {  	s7 =	smul.u32 @!p0 $0xF7A, s2;
	p2 =	seq.s32 @!p0 s5, $0x0  }
0x1f: {  	s9 =	smul.u32 $0xF7A, s1;
	s8 =	simm.s32 @!p0 $0x1BF5;
	p2 =	por !p2, p0  }
0x20: {  	[sflag:s8] =	ssyncset.s32 @!p0 $0xFFFFF086;
	s6 =	sadd.s32 @!p0 s3, s7;
	s7 =	simm.s32 @!p0 $0x108  }
0x21: {  	s3 =	sadd.s32 s3, s9;
	s6 =	sadd.s32 @!p0 $0x88, s6;
	s7 =	simm.s32 @p2 $0x1082  }
0x22: {  	[simem:s7], [sflag:s8] =	dma.local @!p0 [hbm:s6], $0xF7A  }
0x23: {  	s9 =	sor.u32 $0xD0000000, s2;
	s6 =	simm.s32 $0x108;
	_ =	swait.ge @!p0 [sflag:s8], $0x0  }
0x24: {  	s3 =	sadd.s32 $0x88, s3;
	s6 =	simm.s32 @!p1 $0x1082;
	[sflag:s4] =	ssyncset.s32 $0xFFFFF086  }
0x25: {  	[simem:s6], [sflag:s4] =	dma.local [hbm:s3], $0xF7A  }
0x26: {  	[smem:$0x3F9B] =	sst s1;
	(tag) =	ssettag s2;
	_ =	strace s9  }
0x27: {  	s1 =	sld [smem:$0x3FAB]  }
0x28: {  	s2 =	sld [smem:$0x3FAC]  }
0x29: {  	s4 =	sld [smem:$0x3FAE]  }
0x2a: {  	p0 =	seq.s32 s5, $0x0;
	s5 =	sld [smem:$0x3FAF]  }
0x2b: {  	s6 =	sld [smem:$0x3FB0]  }
0x2c: {  	s7 =	sld [smem:$0x3FB1]  }
0x2d: {  	s3 =	simm.s32 $0x108;
	s8 =	sld [smem:$0x3FB2]  }
0x2e: {  	s3 =	simm.s32 @!p0 $0x1082;
	s9 =	sld [smem:$0x3FB3]  }
0x2f: {  	lr =	sadd.s32 s0, s3;
	s0 =	sld [smem:$0x3FAA]  }
0x30: {  	s3 =	sld [smem:$0x3FAD]  }
0x31: {  	[smem:$0x3FB6] =	sst s10  }
0x32: {  	s10 =	sld [smem:$0x3FB4];
	_ =	sdelay $0x3  }
0x33: {  	p0 =	seq.s32 s10, $0x1;
	s10 =	sld [smem:$0x3FB6];
	_ =	sdelay $0x3  }
0x34: {  	[smem:$0x3FB6] =	sst s10  }
0x35: {  	s10 =	sld [smem:$0x3FB5];
	_ =	sdelay $0x3  }
0x36: {  	p1 =	seq.s32 s10, $0x1;
	s10 =	sld [smem:$0x3FB6];
	_ =	sdelay $0x3  }
0x37: {  	[smem:$0x3FB6] =	sst s10  }
0x38: {  	s10 =	sld [smem:$0x3FB7]  }
0x39: {  	_ = 	snop;
	(pc) =	sbr.ind lr, $3  }
0x3a: {  	_ = 	snop  }
0x3b: {  	_ = 	snop  }
0x3c: {  	p2 =	seq.s32 s10, $0x1;
	s10 =	sld [smem:$0x3FB6]  }
0x3d: {  	_ =	shalt  }
0x3e: {  	_ =	shalt  }
0x3f: {  	_ =	shalt  }
0x40: {  	_ =	shalt  }
0x41: {  	_ =	shalt  }
0x42: {  	_ =	shalt  }
0x43: {  	_ =	shalt  }
0x44: {  	_ =	shalt  }
0x45: {  	_ =	shalt  }
0x46: {  	_ =	shalt  }
0x47: {  	_ =	shalt  }
0x48: {  	_ =	shalt  }
0x49: {  	_ =	shalt  }
0x4a: {  	_ =	shalt  }
0x4b: {  	_ =	shalt  }
0x4c: {  	_ =	shalt  }
0x4d: {  	_ =	shalt  }
0x4e: {  	_ =	shalt  }
0x4f: {  	_ =	shalt  }
0x50: {  	_ =	shalt  }
0x51: {  	_ =	shalt  }
0x52: {  	_ =	shalt  }
0x53: {  	_ =	shalt  }
0x54: {  	_ =	shalt  }
0x55: {  	_ =	shalt  }
0x56: {  	_ =	shalt  }
0x57: {  	_ =	shalt  }
0x58: {  	_ =	shalt  }
0x59: {  	_ =	shalt  }
0x5a: {  	_ =	shalt  }
0x5b: {  	_ =	shalt  }
0x5c: {  	_ =	shalt  }
0x5d: {  	_ =	shalt  }
0x5e: {  	_ =	shalt  }
0x5f: {  	_ =	shalt  }
0x60: {  	_ =	shalt  }
0x61: {  	_ =	shalt  }
0x62: {  	_ =	shalt  }
0x63: {  	_ =	shalt  }
0x64: {  	_ =	shalt  }
0x65: {  	_ =	shalt  }
0x66: {  	_ =	shalt  }
0x67: {  	_ =	shalt  }
0x68: {  	_ =	shalt  }
0x69: {  	_ =	shalt  }
0x6a: {  	_ =	shalt  }
0x6b: {  	_ =	shalt  }
0x6c: {  	_ =	shalt  }
0x6d: {  	_ =	shalt  }
0x6e: {  	_ =	shalt  }
0x6f: {  	_ =	shalt  }
0x70: {  	_ =	shalt  }
0x71: {  	_ =	shalt  }
0x72: {  	_ =	shalt  }
0x73: {  	_ =	shalt  }
0x74: {  	_ =	shalt  }
0x75: {  	_ =	shalt  }
0x76: {  	_ =	shalt  }
0x77: {  	_ =	shalt  }
0x78: {  	_ =	shalt  }
0x79: {  	_ =	shalt  }
0x7a: {  	_ =	shalt  }
0x7b: {  	_ =	shalt  }
0x7c: {  	_ =	shalt  }
0x7d: {  	_ =	shalt  }
0x7e: {  	_ =	shalt  }
0x7f: {  	_ =	shalt  }
0x80: {  	_ =	shalt  }
0x81: {  	_ =	shalt  }
0x82: {  	_ =	shalt  }
0x83: {  	_ =	shalt  }
0x84: {  	_ =	shalt  }
0x85: {  	_ =	shalt  }
0x86: {  	_ =	shalt  }
0x87: {  	_ =	shalt  }
.Lfunc_end0:
.L_simem_size_0:
called_computation_lowered:
.L_overlay_start_0:
0x88: {  	s2 =	sld [smem:$0x3FD9]  }
0x89: {  	s3 =	sld [smem:$0x3FFE];
	_ =	sdelay $0x1  }
0x8a: {  	s1 =	srdreg.scid  }
0x8b: {  	s0 =	sand.u32 $0x1, s1  }
0x8c: {  	s17 =	sshll.u32 s0, $0xA;
	s2 =	sadd.s32 s3, s2  }
0x8d: {  	s2 =	sadd.s32 s2, s17  }
0x8e: {  	[smem:$0x3FC2] =	sst s2  }
0x8f: {  	_ = 	snop  }
0x90: {  	s2 =	sld [smem:$0x3FD0];
	(tm) =	ssettm $0x1  }
0x91: {  	s18 =	sld [smem:$0x3FFB];
	_ =	sdelay $0x3  }
0x92: {  	_ =	strace s18  }
0x93: {  	s3 =	sld [smem:$0x3FFC];
	_ =	sdelay $0x3  }
0x94: {  	_ =	strace s3  }
0x95: {  	s3 =	sld [smem:$0x3FFD];
	_ =	sdelay $0x3  }
0x96: {  	_ =	strace s3  }
0x97: {  	_ =	strace $0x8FFFFFFF  }
0x98: {  	s19 =	sld [smem:$0x3FDB];
	_ =	sdelay $0x1  }
0x99: {  	s4 =	simm.s32 $_scs_section_size  }
0x9a: {  	s5 =	simm.s32 $_size__tile_overlayer_lowered;
	s6 =	simm.s32 $_tile_overlayer_lowered  }
0x9b: {  	s22 =	simm.s32 $0x1BFF;
	s21 =	sshll.u32 s6, $0x1;
	s3 =	sadd.s32 s4, s19  }
0x9c: {  	s7 =	simm.s32 $0x0;
	s20 =	sshll.u32 s5, $0x1;
	s5 =	sadd.s32 s21, s3  }
0x9d: {  	[timem:s7], [sflag:s22] =	dma.local [hbm:s5], s20  }
0x9e: {  	_ =	swait.ge [sflag:s22], s20  }
0x9f: {  	s4 =	ssub.s32 $0x0, s20;
	[sflag:s22] =	ssyncset.done $0x0  }
0xa0: {  	[sflag:s22] =	ssyncadd.s32 s4;
	_ =	sdelay $0x1  }
0xa1: {  	s23 =	simm.s32 $0x1B8B  }
0xa2: {  	_ =	swait.ge [sflag:s23], $0x1  }
0xa3: {  	[sflag:s23] =	ssyncset.done $0x0  }
0xa4: {  	s25 =	simm.s32 $0x1B8E;
	s24 =	sld [smem:$0x3FFE];
	[sflag:s23] =	ssyncadd.s32 $0xFFFFFFFF  }
0xa5: {  	s26 =	simm.s32 $execute0_lowered;
	[smem:$0x3FD2] =	sst s25  }
0xa6: {  	s5 =	sshll.u32 s26, $0x1;
	_ =	strace $0x80000046;
	[dreg:$0x1] =	wrdreg $0xFFFFFFFF  }
0xa7: {  	s28 =	simm.s32 $_size_execute0_lowered;
	s3 =	sadd.s32 s3, s5;
	[dreg:$0x0] =	wrdreg $0x0  }
0xa8: {  	s5 =	sshll.u32 s28, $0x1;
	[dreg:$0x2] =	wrdreg s3  }
0xa9: {  	[dreg:$0x3] =	wrdreg s5  }
0xaa: {  	[dreg:$0x4] =	wrdreg $0xC0  }
0xab: {  	_ =	task [dreg:s7], $0x5FFFF  }
0xac: {  	[dreg:$0x1] =	wrdreg $0xFFFFFFFF  }
0xad: {  	[dreg:$0x0] =	wrdreg $0x60  }
0xae: {  	[dreg:$0x2] =	wrdreg s24  }
0xaf: {  	[dreg:$0x3] =	wrdreg s2  }
0xb0: {  	[dreg:$0x4] =	wrdreg $0x54000  }
0xb1: {  	[dreg:$0x5] =	wrdreg $0x9  }
0xb2: {  	_ =	task.clear_ibuf [dreg:s7], $0x6FFFF;
	_ =	strace $0x90000046  }
0xb3: {  	s29 =	simm.s32 $0x9;
	_ =	strace $0x80000048  }
0xb4: {  	_ =	swait.ge [sflag:s29], $0x1  }
0xb5: {  	[sflag:s29] =	ssyncadd.s32 $0xFFFFFFFF  }
0xb6: {  	_ =	strace $0x90000048  }
0xb7: {  	_ =	sfence  }
0xb8: {  	s30 =	sld [smem:$0x0];
	_ =	sdelay $0x2  }
0xb9: {  	s31 =	sshll.u32 s1, $0xD;
	s1 =	sshrl.u32 s1, $0x2  }
0xba: {  	s3 =	sand.u32 $0x4000, s31;
	s1 =	sadd.s32 s1, s30  }
0xbb: {  	s0 =	sor.u32 s3, s0;
	s1 =	sshll.u32 s1, $0x11  }
0xbc: {  	s0 =	sor.u32 s1, s0  }
0xbd: {  	s0 =	sadd.s32 $0x8F2B, s0  }
0xbe: {  	[sflag:s0] =	ssyncadd.remote.s32 $0x1  }
0xbf: {  	_ =	sfence.sel $0xFFFF  }
0xc0: {  	[dreg:$0x0] =	wrdreg $0xFFFFFFFF;
	(pc) =	sbr.abs _section_cstart, $3  }
0xc1: {  	[dreg:$0x1] =	wrdreg $0xFFFFFFFF  }
0xc2: {  	_ =	task.clear_ibuf [dreg:s7], $0x2FFFF;
	_ =	strace $0x9FFFFFFF  }
0xc3: {  	(tm) =	ssettm $0x7FFFFFFF  }
tec
execute0_lowered:
.L_overlay_start_1:
0x0: {  	(tag) =	ssettag $0x1  }
0x1: {  	s12 =	rddreg [dreg:$0x0]  }
0x2: {  	s0 =	srdreg.scid;
	s8 =	rddreg [dreg:$0x1]  }
0x3: {  	s2 =	rddreg [dreg:$0x2];
	s1 =	stileid.u32  }
0x4: {  	s3 =	simm.s32 $0x0;
	s19 =	simm.s32 $0x1400;
	s20 =	simm.s32 $0x1  }
0x5: {  	s21 =	simm.s32 $0x7D;
	s9 =	sand.u32 $0x1, s0;
	s0 =	rddreg [dreg:$0x3]  }
0x6: {  	s23 =	simm.s32 $0x0;
	[smem:$0x7FF] =	sst s3;
	s5 =	smul.u32 $0x4E000, s1  }
0x7: {  	s6 =	smul.u32 $0x2700, s1;
	p0 =	seq.s32 s1, $0xF;
	s4 =	sshll.u32 s9, $0x4  }
0x8: {  	_ =	strace $0x80000047;
	s7 =	ssub.s32 $0x2, s9;
	p4 =	seq.s32 s9, $0x1  }
0x9: {  	s17 =	sshll.u32 @!p0 s1, $0x6;
	s4 =	sor.u32 s1, s4;
	s10 =	sshrl.u32 s7, $0x1  }
0xa: {  	s5 =	sshrl.u32 s5, $0x2;
	s11 =	sadd.s32 s6, s12;
	s6 =	sadd.s32 s8, s6  }
0xb: {  	s8 =	sadd.s32 $0x24900, s8;
	s17 =	sor.u32 @!p0 $0x1C01, s17;
	p2 =	seq.s32 @p4 s1, $0xF  }
0xc: {  	p5 =	seq.s32 @!p4 s1, $0xF;
	s4 =	smul.u32 $0x500, s4;
	s13 =	ssub.s32 s7, s10  }
0xd: {  	s5 =	sadd.s32 s5, s2;
	s7 =	sadd.s32 $0x124800, s2;
	s9 =	sadd.s32 $0xEE00, s11  }
0xe: {  	s10 =	sadd.s32 $0x33700, s12;
	s11 =	sadd.s32 $0x36000, s11;
	p1 =	por !p2, !p4  }
0xf: {  	p2 =	por p2, !p4;
	p3 =	por !p5, p4;
	p4 =	por p5, p4  }
0x10: {  	s13 =	smax.u32 s13, $0x1;
	s16 =	sshrl.u32 @p0 s7, $0x3;
	s18 =	sshrl.u32 @!p0 s5, $0x3  }
0x11: {  	s22 =	sshrl.u32 @!p1 s7, $0x3;
	s15 =	sadd.s32 s4, s12;
	s4 =	sadd.s32 $0xE600, s12  }
0x12: {  	s12 =	sadd.s32 $0x5A900, s12;
	s14 =	sadd.s32 $0x4600, s15;
	s15 =	sadd.s32 $0x4880, s15  }
.LBB2_1:
0x13: {  	s24 =	simm.s32 @p0 $0x1FC1  }
0x14: {  	[spmem:s16], [sflag:s24] =	dma.local @p0 [hbm:s8], $0x2800  }
0x15: {  	s24 =	simm.s32 @p0 $0x1  }
0x16: {  	_ =	swait.ge @p0 [sflag:s24], $0x2800  }
0x17: {  	[sflag:s24] =	ssyncset.done @p0 $0x0  }
0x18: {  	[sflag:s24] =	ssyncadd.s32 @p0 $0xFFFFD800;
	s24 =	simm.s32 @!p0 $0x1  }
0x19: {  	[spmem:s18], [sflag:s17] =	dma.local @!p0 [hbm:s6], $0x2700  }
0x1a: {  	_ =	swait.ge @!p0 [sflag:s24], $0x2700  }
0x1b: {  	[sflag:s24] =	ssyncset.done @!p0 $0x0  }
0x1c: {  	[sflag:s24] =	ssyncadd.s32 @!p0 $0xFFFFD900  }
0x1d: {  	[tilespmem:s19], [sflag:$0x1] =	stream.linear.gather [hbm4b:s4+s3], $0x3E80, $0x38;
	[tilespmem:$0x18C80] =	vst v63  }
0x1e: {  	_ =	swait.ge [sflag:s20], $0x3E80  }
0x1f: {  	[sflag:s20] =	ssyncset.done $0x0  }
0x20: {  	[sflag:s20] =	ssyncadd.s32 $0xFFFFC180  }
0x21: {  	[bflag:$0x0] =	sbarrier.arrive $0xFFFF  }
0x22: {  	[tilespmem:s3], [sflag:$0x1] =	stream.linear.gather [hbm4b:s14+s3], $0x1400, $0x38;
	[tilespmem:$0x18C80] =	vst v63  }
0x23: {  	_ =	swait.ge [sflag:s20], $0x1400  }
0x24: {  	[sflag:s20] =	ssyncset.done $0x0  }
0x25: {  	s31 =	simm.s32 $0x0;
	[sflag:s20] =	ssyncadd.s32 $0xFFFFEC00  }
0x26: {  	[spmem:s2] =	stream.indirect.scatter.add.f32 [tilespmem:s19], [sflag:$0x1], $0x80, s31, s21, $0xb8;
	[tilespmem:$0x18C80] =	vst v63  }
0x27: {  	_ =	swait.ge [sflag:s20], $0x3E80  }
0x28: {  	s24 =	simm.s32 $0x200;
	[sflag:s20] =	ssyncset.done $0x0  }
.LBB2_2:
0x29: {  	s25 =	sshra.s32 s24, $0x2;
	[sflag:s20] =	ssyncadd.s32 $0xFFFFC180;
	p5 =	sne.s32 s24, $0x4E00  }
0x2a: {  	[spmem:s2] =	stream.indirect.scatter.add.f32 [tilespmem:s19], [sflag:$0x1], $0x80, s25, s21, $0xb8;
	[tilespmem:$0x18C80] =	vst v63  }
.Ltmp0:
0x2b: {  	_ = 	snop;
	(pc) =	sbr.rel @p5 .LBB2_2-.Ltmp0, $4  }
0x2c: {  	_ = 	snop  }
0x2d: {  	s24 =	sadd.s32 $0x200, s24  }
0x2e: {  	_ =	swait.ge [sflag:s20], $0x3E80  }
0x2f: {  	[sflag:s20] =	ssyncset.done $0x0  }
0x30: {  	[sflag:s20] =	ssyncadd.s32 $0xFFFFC180;
	s24 =	simm.s32 $0x0  }
0x31: {  	[tilespmem:s24], [sflag:$0x1] =	stream.linear.gather [hbm4b:s15+s24], $0x1400, $0x38;
	[tilespmem:$0x18C80] =	vst v63  }
0x32: {  	_ =	swait.ge [sflag:s20], $0x1400  }
0x33: {  	[sflag:s20] =	ssyncset.done $0x0  }
0x34: {  	s31 =	simm.s32 $0x0;
	[sflag:s20] =	ssyncadd.s32 $0xFFFFEC00  }
0x35: {  	[spmem:s2] =	stream.indirect.scatter.add.f32 [tilespmem:s19], [sflag:$0x1], $0x80, s31, s21, $0xb8;
	[tilespmem:$0x18C80] =	vst v63  }
0x36: {  	_ =	swait.ge [sflag:s20], $0x3E80  }
0x37: {  	s24 =	simm.s32 $0x200;
	[sflag:s20] =	ssyncset.done $0x0  }
.LBB2_4:
0x38: {  	s25 =	sshra.s32 s24, $0x2;
	[sflag:s20] =	ssyncadd.s32 $0xFFFFC180;
	p5 =	sne.s32 s24, $0x4E00  }
0x39: {  	[spmem:s2] =	stream.indirect.scatter.add.f32 [tilespmem:s19], [sflag:$0x1], $0x80, s25, s21, $0xb8;
	[tilespmem:$0x18C80] =	vst v63  }
.Ltmp1:
0x3a: {  	_ = 	snop;
	(pc) =	sbr.rel @p5 .LBB2_4-.Ltmp1, $4  }
0x3b: {  	_ = 	snop  }
0x3c: {  	s24 =	sadd.s32 $0x200, s24  }
0x3d: {  	_ =	swait.ge [sflag:s20], $0x3E80  }
0x3e: {  	[sflag:s20] =	ssyncset.done $0x0  }
0x3f: {  	[sflag:s20] =	ssyncadd.s32 $0xFFFFC180  }
0x40: {  	s24 =	simm.s32 @!p1 $0x1FC1;
	[bflag:$0x0] =	sbarrier.arrive $0xFFFF  }
0x41: {  	[hbm:s12], [sflag:s24] =	dma.local @!p1 [spmem:s22], $0x2800  }
0x42: {  	s24 =	simm.s32 @!p1 $0x1  }
0x43: {  	_ =	swait.ge @!p1 [sflag:s24], $0x2800  }
0x44: {  	s25 =	sshll.u32 @!p2 s1, $0x6;
	[sflag:s24] =	ssyncset.done @!p1 $0x0  }
0x45: {  	[sflag:s24] =	ssyncadd.s32 @!p1 $0xFFFFD800;
	s24 =	sor.u32 @!p2 $0x1C01, s25;
	s25 =	sshrl.u32 @!p2 s5, $0x3  }
0x46: {  	[hbm:s11], [sflag:s24] =	dma.local @!p2 [spmem:s25], $0x2700  }
0x47: {  	s24 =	simm.s32 @!p2 $0x1  }
0x48: {  	_ =	swait.ge @!p2 [sflag:s24], $0x2700  }
0x49: {  	[sflag:s24] =	ssyncset.done @!p2 $0x0  }
0x4a: {  	s25 =	simm.s32 @!p3 $0x1FC1;
	[sflag:s24] =	ssyncadd.s32 @!p2 $0xFFFFD900;
	s24 =	sshrl.u32 @!p3 s7, $0x3  }
0x4b: {  	[hbm:s10], [sflag:s25] =	dma.local @!p3 [spmem:s24], $0x2800  }
0x4c: {  	s24 =	simm.s32 @!p3 $0x1  }
0x4d: {  	s23 =	sadd.s32 $0x1, s23;
	_ =	swait.ge @!p3 [sflag:s24], $0x2800  }
0x4e: {  	p5 =	sne.s32 s23, s13;
	s25 =	sshll.u32 @!p4 s1, $0x6;
	[sflag:s24] =	ssyncset.done @!p3 $0x0  }
0x4f: {  	[sflag:s24] =	ssyncadd.s32 @!p3 $0xFFFFD800;
	s24 =	sor.u32 @!p4 $0x1C01, s25;
	s25 =	sshrl.u32 @!p4 s5, $0x3  }
0x50: {  	[hbm:s9], [sflag:s24] =	dma.local @!p4 [spmem:s25], $0x2700  }
.Ltmp2:
0x51: {  	_ = 	snop;
	(pc) =	sbr.rel @p5 .LBB2_1-.Ltmp2, $4  }
0x52: {  	s24 =	simm.s32 @!p4 $0x1  }
0x53: {  	_ =	swait.ge @!p4 [sflag:s24], $0x2700  }
0x54: {  	[sflag:s24] =	ssyncset.done @!p4 $0x0  }
0x55: {  	[sflag:s24] =	ssyncadd.s32 @!p4 $0xFFFFD900  }
0x56: {  	_ =	sfence.sel $0x180000  }
0x57: {  	[bflag:$0x0] =	sbarrier.arrive $0xFFFF  }
0x58: {  	p0 =	sne.s32 s1, $0x0;
	_ =	strace $0x90000047  }
0x59: {  	s0 =	sadd.s32 @!p0 $0x100000, s0;
	[bflag:$0x2] =	sbarrier.arrive $0xFFFF  }
0x5a: {  	[sflag:s0] =	ssyncadd.tile.s32 @!p0 $0x1;
	_ =	shalt  }
.Lfunc_end2:
_tile_overlayer_lowered:
.L_overlay_start_2:
0x5b: {  	(tag) =	ssettag $0x2  }
0x5c: {  	s0 =	rddreg [dreg:$0x0];
	s2 =	stileid.u32  }
0x5d: {  	s1 =	rddreg [dreg:$0x1];
	p0 =	sne.s32 s2, $0x0  }
0x5e: {  	s3 =	rddreg [dreg:$0x2];
	[bflag:$0x3] =	sbarrier.arrive $0xFFFF;
	s2 =	simm.s32 @!p0 $0x1C01  }
0x5f: {  	[timem:s3], [sflag:s2] =	dma.local @!p0 [hbm:s0], s1  }
0x60: {  	s0 =	simm.s32 @!p0 $0x1  }
0x61: {  	_ =	swait.ge @!p0 [sflag:s0], s1  }
0x62: {  	s1 =	ssub.s32 @!p0 $0x0, s1;
	[sflag:s0] =	ssyncset.done @!p0 $0x0  }
0x63: {  	[sflag:s0] =	ssyncadd.s32 @!p0 s1  }
0x64: {  	[bflag:$0x3] =	sbarrier.arrive $0xFFFF  }
0x65: {  	_ =	shalt  }

</sc_bundles>
